<compile_context>
chip_gen: v7x
topology: tpu7x:2x2x1
jax: 0.10.2.dev20260603
libtpu: 0.0.44.dev20260713+nightly
codegen_flags: <defaults>
</compile_context>

<pallas_src>
import functools

import jax
import jax.numpy as jnp
from jax import lax
from jax.experimental import pallas as pl
from jax.experimental.pallas import tpu as pltpu
from jax.experimental.pallas import tpu_sc as plsc

N_NODES = 10000
N_EDGES = 320000
D_FEAT = 128
D_HALF = 64
D_EDGE = 16
LN_EPS = 1e-6

NC = 2
NS = 16
NW = NC * NS

CHUNK = 80
EDGES_PER_W = N_EDGES // NW
CHUNKS_PER_W = EDGES_PER_W // CHUNK
N_PAD = 10240
ROWS_PER_TILE = N_PAD // NS


def _sc_body(nodes2_hbm, edges_hbm, s0_hbm, s1_hbm, recv_hbm, z_hbm, ze_hbm,
             pnL_hbm, pnR_hbm, pe_hbm,
             sidx0, sidx1, ridx, rows, erows, acc, eacc,
             gs0, gs1, es0, es1):
    cid = lax.axis_index("c")
    sid = lax.axis_index("s")
    w = cid * NS + sid
    mine = pl.ds(sid * ROWS_PER_TILE, ROWS_PER_TILE)
    gsem = (gs0, gs1)
    esem = (es0, es1)

    pltpu.sync_copy(z_hbm, acc.at[mine])
    pltpu.sync_copy(ze_hbm, eacc.at[mine])

    pltpu.sync_copy(s0_hbm.at[w], sidx0)
    pltpu.sync_copy(s1_hbm.at[w], sidx1)
    pltpu.sync_copy(recv_hbm.at[w], ridx)

    plsc.subcore_barrier()

    def run_pass(sidx, with_edges):
        for b in (0, 1):
            pltpu.async_copy(nodes2_hbm.at[sidx.at[b]], rows.at[b], gsem[b])
            if with_edges:
                pltpu.async_copy(
                    edges_hbm.at[pl.ds(w * EDGES_PER_W + b * CHUNK, CHUNK)],
                    erows.at[b], esem[b])

        @pl.loop(0, CHUNKS_PER_W, step=2)
        def _(j):
            for b in (0, 1):
                c = j + b
                @pl.when(c < CHUNKS_PER_W)
                def _():
                    pltpu.make_async_copy(
                        nodes2_hbm.at[sidx.at[c]], rows.at[b], gsem[b]).wait()
                    pltpu.sync_copy(rows.at[b], acc.at[ridx.at[c]], add=True)
                    if with_edges:
                        pltpu.make_async_copy(
                            edges_hbm.at[pl.ds(w * EDGES_PER_W + c * CHUNK,
                                               CHUNK)],
                            erows.at[b], esem[b]).wait()
                        pltpu.sync_copy(erows.at[b], eacc.at[ridx.at[c]],
                                        add=True)

                    @pl.when(c + 2 < CHUNKS_PER_W)
                    def _():
                        pltpu.async_copy(
                            nodes2_hbm.at[sidx.at[c + 2]], rows.at[b],
                            gsem[b])
                        if with_edges:
                            pltpu.async_copy(
                                edges_hbm.at[
                                    pl.ds(w * EDGES_PER_W + (c + 2) * CHUNK,
                                          CHUNK)],
                                erows.at[b], esem[b])

    run_pass(sidx0, True)
    plsc.subcore_barrier()

    pltpu.sync_copy(acc.at[mine], pnL_hbm.at[cid].at[mine])
    pltpu.sync_copy(eacc.at[mine], pe_hbm.at[cid].at[mine])
    pltpu.sync_copy(z_hbm, acc.at[mine])
    plsc.subcore_barrier()

    run_pass(sidx1, False)
    plsc.subcore_barrier()

    pltpu.sync_copy(acc.at[mine], pnR_hbm.at[cid].at[mine])


_sc_segsum = functools.partial(
    pl.kernel,
    out_type=[
        jax.ShapeDtypeStruct((NC, N_PAD, D_HALF), jnp.float32),
        jax.ShapeDtypeStruct((NC, N_PAD, D_HALF), jnp.float32),
        jax.ShapeDtypeStruct((NC, N_PAD, D_EDGE), jnp.float32),
    ],
    mesh=plsc.VectorSubcoreMesh(core_axis_name="c", subcore_axis_name="s"),
    scratch_types=[
        pltpu.VMEM((CHUNKS_PER_W, CHUNK), jnp.int32),
        pltpu.VMEM((CHUNKS_PER_W, CHUNK), jnp.int32),
        pltpu.VMEM((CHUNKS_PER_W, CHUNK), jnp.int32),
        pltpu.VMEM((2, CHUNK, D_HALF), jnp.float32),
        pltpu.VMEM((2, CHUNK, D_EDGE), jnp.float32),
        pltpu.VMEM_SHARED((N_PAD, D_HALF), jnp.float32),
        pltpu.VMEM_SHARED((N_PAD, D_EDGE), jnp.float32),
        pltpu.SemaphoreType.DMA,
        pltpu.SemaphoreType.DMA,
        pltpu.SemaphoreType.DMA,
        pltpu.SemaphoreType.DMA,
    ],
    compiler_params=pltpu.CompilerParams(use_tc_tiling_on_sc=False),
)(_sc_body)


def _tc_body(nodes, pl0, pl1, pr0, pr1, pe0, pe1,
             wm_a, wm_b, wm_bot, w_node, w1_top, w1_bot, w2,
             b1, b2, g, b, out):
    f32 = jnp.float32
    agg = (jnp.dot(pl0[0] + pl1[0], wm_a[...], preferred_element_type=f32)
           + jnp.dot(pr0[0] + pr1[0], wm_b[...], preferred_element_type=f32)
           + jnp.dot(pe0[0] + pe1[0], wm_bot[...], preferred_element_type=f32))
    x = nodes[...]
    h = jnp.maximum(
        jnp.dot(x, w1_top[...], preferred_element_type=f32)
        + jnp.dot(agg, w1_bot[...], preferred_element_type=f32)
        + b1[...], 0.0)
    pre = (jnp.dot(h, w2[...], preferred_element_type=f32) + b2[...]
           + jnp.dot(x, w_node[...], preferred_element_type=f32))
    mean = jnp.mean(pre, axis=-1, keepdims=True)
    c = pre - mean
    var = jnp.mean(c * c, axis=-1, keepdims=True)
    out[...] = c * lax.rsqrt(var + LN_EPS) * g[...] + b[...]


def kernel(nodes, edges, W_message, W_node, mlp_W1, mlp_b1, mlp_W2, mlp_b2,
           ln_scale, ln_bias, senders, receivers):
    nodes2 = nodes.reshape(2 * N_NODES, D_HALF)
    s0 = (senders * 2).reshape(NW, CHUNKS_PER_W, CHUNK)
    s1 = (senders * 2 + 1).reshape(NW, CHUNKS_PER_W, CHUNK)
    recv3d = receivers.reshape(NW, CHUNKS_PER_W, CHUNK)
    z = jnp.zeros((ROWS_PER_TILE, D_HALF), jnp.float32)
    ze = jnp.zeros((ROWS_PER_TILE, D_EDGE), jnp.float32)

    pnL, pnR, pe = _sc_segsum(nodes2, edges, s0, s1, recv3d, z, ze)

    R = 1000
    grid = (N_NODES // R,)
    full = lambda shape: pl.BlockSpec(shape, lambda i: (0, 0))
    out = pl.pallas_call(
        _tc_body,
        grid=grid,
        in_specs=[
            pl.BlockSpec((R, D_FEAT), lambda i: (i, 0)),
            pl.BlockSpec((1, R, D_HALF), lambda i: (0, i, 0)),
            pl.BlockSpec((1, R, D_HALF), lambda i: (1, i, 0)),
            pl.BlockSpec((1, R, D_HALF), lambda i: (0, i, 0)),
            pl.BlockSpec((1, R, D_HALF), lambda i: (1, i, 0)),
            pl.BlockSpec((1, R, D_EDGE), lambda i: (0, i, 0)),
            pl.BlockSpec((1, R, D_EDGE), lambda i: (1, i, 0)),
            full((D_HALF, D_FEAT)),
            full((D_HALF, D_FEAT)),
            full((D_EDGE, D_FEAT)),
            full((D_FEAT, D_FEAT)),
            full((D_FEAT, D_FEAT)),
            full((D_FEAT, D_FEAT)),
            full((D_FEAT, D_FEAT)),
            full((1, D_FEAT)),
            full((1, D_FEAT)),
            full((1, D_FEAT)),
            full((1, D_FEAT)),
        ],
        out_specs=pl.BlockSpec((R, D_FEAT), lambda i: (i, 0)),
        out_shape=jax.ShapeDtypeStruct((N_NODES, D_FEAT), jnp.float32),
    )(nodes, pnL, pnL, pnR, pnR, pe, pe,
      W_message[:D_HALF], W_message[D_HALF:D_FEAT], W_message[D_FEAT:],
      W_node, mlp_W1[:D_FEAT], mlp_W1[D_FEAT:], mlp_W2,
      mlp_b1.reshape(1, -1), mlp_b2.reshape(1, -1),
      ln_scale.reshape(1, -1), ln_bias.reshape(1, -1))
    return out

# --- scband reference (transcript-rebuilt; emitter-appended) ---
"""Pipeline reference for scband-linear-message-passing-layer-32109175505236 (READ-ONLY COPY).

The authoritative reference and input builder live on the scoring server;
editing this copy changes nothing except your own understanding.
"""

import jax, jax.numpy as jnp
import numpy as np

N_NODES = 10000
N_EDGES = 320000
D_FEAT = 128
D_EDGE = 16
D_MSG = 128
D_HID = 128
LN_EPS = 1e-6


def setup_inputs(seed: int = 0) -> dict:
    key = jax.random.key(seed)
    ks = jax.random.split(key, 10)
    nodes = jax.random.normal(ks[0], (N_NODES, D_FEAT), dtype=jnp.float32)
    edges = jax.random.normal(ks[1], (N_EDGES, D_EDGE), dtype=jnp.float32)
    senders = jax.random.randint(ks[2], (N_EDGES,), 0, N_NODES, dtype=jnp.int32)
    receivers = jnp.sort(jax.random.randint(ks[3], (N_EDGES,), 0, N_NODES, dtype=jnp.int32))
    # learned parameters (per init_kwargs: n_features_list_nodes=[128,128], n_features_list_messages=[128,128])
    W_message = jax.random.normal(ks[4], (D_FEAT + D_EDGE, D_MSG), dtype=jnp.float32) / np.sqrt(D_FEAT + D_EDGE)
    W_node = jax.random.normal(ks[5], (D_FEAT, D_HID), dtype=jnp.float32) / np.sqrt(D_FEAT)
    mlp_W1 = jax.random.normal(ks[6], (D_FEAT + D_MSG, D_HID), dtype=jnp.float32) / np.sqrt(D_FEAT + D_MSG)
    mlp_b1 = jnp.zeros((D_HID,), dtype=jnp.float32)
    mlp_W2 = jax.random.normal(ks[7], (D_HID, D_HID), dtype=jnp.float32) / np.sqrt(D_HID)
    mlp_b2 = jnp.zeros((D_HID,), dtype=jnp.float32)
    ln_scale = jnp.ones((D_HID,), dtype=jnp.float32)
    ln_bias = jnp.zeros((D_HID,), dtype=jnp.float32)
    return {
        "nodes": nodes,
        "edges": edges,
        "W_message": W_message,
        "W_node": W_node,
        "mlp_W1": mlp_W1,
        "mlp_b1": mlp_b1,
        "mlp_W2": mlp_W2,
        "mlp_b2": mlp_b2,
        "ln_scale": ln_scale,
        "ln_bias": ln_bias,
        "senders": senders,
        "receivers": receivers,
    }


def reference(nodes, edges, W_message, W_node, mlp_W1, mlp_b1, mlp_W2, mlp_b2, ln_scale, ln_bias, senders, receivers):
    total_nodes = nodes.shape[0]
    # message step: gather sender features, concat edge attrs, linear (no bias)
    sender_features = jnp.take(nodes, senders, axis=0)
    messageMLP_input = jnp.concatenate([sender_features, edges], axis=-1)
    messages_out = messageMLP_input @ W_message
    # aggregate by receiver
    aggregated_messages = jax.ops.segment_sum(data=messages_out, segment_ids=receivers, num_segments=total_nodes)
    # node update: ReluMLP([128,128]) = Dense+relu, Dense (linear last layer)
    nodeMLP_input = jnp.concatenate([nodes, aggregated_messages], axis=-1)
    h = jax.nn.relu(nodeMLP_input @ mlp_W1 + mlp_b1)
    nodes_out = h @ mlp_W2 + mlp_b2
    # residual linear + LayerNorm (flax defaults: eps=1e-6, learned scale and bias)
    pre = nodes @ W_node + nodes_out
    mean = jnp.mean(pre, axis=-1, keepdims=True)
    var = jnp.mean(jnp.square(pre - mean), axis=-1, keepdims=True)
    normed = (pre - mean) * jax.lax.rsqrt(var + LN_EPS)
    nodes_new = normed * ln_scale + ln_bias
    return nodes_new

if __name__ == "__main__":
    import jax
    _d = setup_inputs()
    print(jax.jit(kernel)(*tuple(_d.values())))

</pallas_src>

<mosaic_0001>
#map = affine_map<(d0, d1) -> (0, 0)>
#map1 = affine_map<(d0, d1) -> (0, 0, 0)>
module attributes {stable_mosaic.version = 14 : i64} {
  func.func @_sc_body(%arg0: i32, %arg1: i32, %arg2: memref<20000x64xf32, #tpu.memory_space<hbm>>, %arg3: memref<320000x16xf32, #tpu.memory_space<hbm>>, %arg4: memref<32x125x80xi32, #tpu.memory_space<hbm>>, %arg5: memref<32x125x80xi32, #tpu.memory_space<hbm>>, %arg6: memref<32x125x80xi32, #tpu.memory_space<hbm>>, %arg7: memref<640x64xf32, #tpu.memory_space<hbm>>, %arg8: memref<640x16xf32, #tpu.memory_space<hbm>>, %arg9: memref<2x10240x64xf32, #tpu.memory_space<hbm>>, %arg10: memref<2x10240x64xf32, #tpu.memory_space<hbm>>, %arg11: memref<2x10240x16xf32, #tpu.memory_space<hbm>>, %arg12: memref<125x80xi32, #tpu.memory_space<vmem>>, %arg13: memref<125x80xi32, #tpu.memory_space<vmem>>, %arg14: memref<125x80xi32, #tpu.memory_space<vmem>>, %arg15: memref<2x80x64xf32, #tpu.memory_space<vmem>>, %arg16: memref<2x80x16xf32, #tpu.memory_space<vmem>>, %arg17: memref<10240x64xf32, #tpu.memory_space<vmem_shared>>, %arg18: memref<10240x16xf32, #tpu.memory_space<vmem_shared>>, %arg19: memref<!tpu.dma_semaphore, #tpu.memory_space<semaphore_mem>>, %arg20: memref<!tpu.dma_semaphore, #tpu.memory_space<semaphore_mem>>, %arg21: memref<!tpu.dma_semaphore, #tpu.memory_space<semaphore_mem>>, %arg22: memref<!tpu.dma_semaphore, #tpu.memory_space<semaphore_mem>>) attributes {dimension_semantics = [#tpu.dimension_semantics<core_parallel>, #tpu.dimension_semantics<subcore_parallel>], iteration_bounds = array<i64: 2, 16>, scalar_prefetch = 0 : i64, scratch_operands = 11 : i64, tpu.core_type = #tpu.core_type<sc_vector_subcore>, window_params = [{transform_indices = #map}, {transform_indices = #map}, {transform_indices = #map1}, {transform_indices = #map1}, {transform_indices = #map1}, {transform_indices = #map}, {transform_indices = #map}, {transform_indices = #map1}, {transform_indices = #map1}, {transform_indices = #map1}]} {
    %mul3A = arith.constant 16 : i32
    %mul3A_0 = arith.muli %arg0, %mul3A : i32
    %add3A = arith.addi %mul3A_0, %arg1 : i32
    %mul3A_1 = arith.constant 640 : i32
    %mul3A_2 = arith.muli %arg1, %mul3A_1 : i32
    "tpu.region"() ({
      %run_scoped3A = tpu.sem_alloc : memref<!tpu.dma_semaphore, #tpu.memory_space<semaphore_mem>>
      %dma_start3A_96 = arith.constant 0 : i32
      %dma_start3A_97 = tpu.memref_slice %arg17[%mul3A_2, %dma_start3A_96] : memref<10240x64xf32, #tpu.memory_space<vmem_shared>> -> memref<640x64xf32, #tpu.memory_space<vmem_shared>>
      tpu.enqueue_dma source(%arg7 : memref<640x64xf32, #tpu.memory_space<hbm>>) target(%dma_start3A_97 : memref<640x64xf32, #tpu.memory_space<vmem_shared>>) target_semaphore(%run_scoped3A : memref<!tpu.dma_semaphore, #tpu.memory_space<semaphore_mem>>)
      %dma_wait3A = arith.constant 0 : i32
      %dma_wait3A_98 = tpu.memref_slice %arg17[%mul3A_2, %dma_wait3A] : memref<10240x64xf32, #tpu.memory_space<vmem_shared>> -> memref<640x64xf32, #tpu.memory_space<vmem_shared>>
      tpu.wait_dma2 semaphore(%run_scoped3A : memref<!tpu.dma_semaphore, #tpu.memory_space<semaphore_mem>>) src(%arg7 : memref<640x64xf32, #tpu.memory_space<hbm>>) dst(%dma_wait3A_98 : memref<640x64xf32, #tpu.memory_space<vmem_shared>>)
      tpu.yield
    }) : () -> ()
    "tpu.region"() ({
      %run_scoped3A = tpu.sem_alloc : memref<!tpu.dma_semaphore, #tpu.memory_space<semaphore_mem>>
      %dma_start3A_96 = arith.constant 0 : i32
      %dma_start3A_97 = tpu.memref_slice %arg18[%mul3A_2, %dma_start3A_96] : memref<10240x16xf32, #tpu.memory_space<vmem_shared>> -> memref<640x16xf32, #tpu.memory_space<vmem_shared>>
      tpu.enqueue_dma source(%arg8 : memref<640x16xf32, #tpu.memory_space<hbm>>) target(%dma_start3A_97 : memref<640x16xf32, #tpu.memory_space<vmem_shared>>) target_semaphore(%run_scoped3A : memref<!tpu.dma_semaphore, #tpu.memory_space<semaphore_mem>>)
      %dma_wait3A = arith.constant 0 : i32
      %dma_wait3A_98 = tpu.memref_slice %arg18[%mul3A_2, %dma_wait3A] : memref<10240x16xf32, #tpu.memory_space<vmem_shared>> -> memref<640x16xf32, #tpu.memory_space<vmem_shared>>
      tpu.wait_dma2 semaphore(%run_scoped3A : memref<!tpu.dma_semaphore, #tpu.memory_space<semaphore_mem>>) src(%arg8 : memref<640x16xf32, #tpu.memory_space<hbm>>) dst(%dma_wait3A_98 : memref<640x16xf32, #tpu.memory_space<vmem_shared>>)
      tpu.yield
    }) : () -> ()
    "tpu.region"() ({
      %run_scoped3A = tpu.sem_alloc : memref<!tpu.dma_semaphore, #tpu.memory_space<semaphore_mem>>
      %dma_start3A_96 = arith.constant 0 : i32
      %dma_start3A_97 = arith.constant 0 : i32
      %dma_start3A_98 = tpu.memref_slice %arg4[%add3A, %dma_start3A_96, %dma_start3A_97] : memref<32x125x80xi32, #tpu.memory_space<hbm>> -> memref<1x125x80xi32, #tpu.memory_space<hbm>>
      %dma_start3A_99 = tpu.memref_squeeze %dma_start3A_98 : memref<1x125x80xi32, #tpu.memory_space<hbm>> -> memref<125x80xi32, #tpu.memory_space<hbm>>
      %dma_start3A_100 = arith.constant 0 : i32
      %dma_start3A_101 = arith.constant 0 : i32
      %dma_start3A_102 = tpu.memref_slice %arg4[%add3A, %dma_start3A_100, %dma_start3A_101] : memref<32x125x80xi32, #tpu.memory_space<hbm>> -> memref<1x125x80xi32, #tpu.memory_space<hbm>>
      %dma_start3A_103 = tpu.memref_squeeze %dma_start3A_102 : memref<1x125x80xi32, #tpu.memory_space<hbm>> -> memref<125x80xi32, #tpu.memory_space<hbm>>
      tpu.enqueue_dma source(%dma_start3A_103 : memref<125x80xi32, #tpu.memory_space<hbm>>) target(%arg12 : memref<125x80xi32, #tpu.memory_space<vmem>>) target_semaphore(%run_scoped3A : memref<!tpu.dma_semaphore, #tpu.memory_space<semaphore_mem>>)
      %dma_wait3A = arith.constant 0 : i32
      %dma_wait3A_104 = arith.constant 0 : i32
      %dma_wait3A_105 = tpu.memref_slice %arg4[%add3A, %dma_wait3A, %dma_wait3A_104] : memref<32x125x80xi32, #tpu.memory_space<hbm>> -> memref<1x125x80xi32, #tpu.memory_space<hbm>>
      %dma_wait3A_106 = tpu.memref_squeeze %dma_wait3A_105 : memref<1x125x80xi32, #tpu.memory_space<hbm>> -> memref<125x80xi32, #tpu.memory_space<hbm>>
      %dma_wait3A_107 = arith.constant 0 : i32
      %dma_wait3A_108 = arith.constant 0 : i32
      %dma_wait3A_109 = tpu.memref_slice %arg4[%add3A, %dma_wait3A_107, %dma_wait3A_108] : memref<32x125x80xi32, #tpu.memory_space<hbm>> -> memref<1x125x80xi32, #tpu.memory_space<hbm>>
      %dma_wait3A_110 = tpu.memref_squeeze %dma_wait3A_109 : memref<1x125x80xi32, #tpu.memory_space<hbm>> -> memref<125x80xi32, #tpu.memory_space<hbm>>
      tpu.wait_dma2 semaphore(%run_scoped3A : memref<!tpu.dma_semaphore, #tpu.memory_space<semaphore_mem>>) src(%dma_wait3A_110 : memref<125x80xi32, #tpu.memory_space<hbm>>) dst(%arg12 : memref<125x80xi32, #tpu.memory_space<vmem>>)
      tpu.yield
    }) : () -> ()
    "tpu.region"() ({
      %run_scoped3A = tpu.sem_alloc : memref<!tpu.dma_semaphore, #tpu.memory_space<semaphore_mem>>
      %dma_start3A_96 = arith.constant 0 : i32
      %dma_start3A_97 = arith.constant 0 : i32
      %dma_start3A_98 = tpu.memref_slice %arg5[%add3A, %dma_start3A_96, %dma_start3A_97] : memref<32x125x80xi32, #tpu.memory_space<hbm>> -> memref<1x125x80xi32, #tpu.memory_space<hbm>>
      %dma_start3A_99 = tpu.memref_squeeze %dma_start3A_98 : memref<1x125x80xi32, #tpu.memory_space<hbm>> -> memref<125x80xi32, #tpu.memory_space<hbm>>
      %dma_start3A_100 = arith.constant 0 : i32
      %dma_start3A_101 = arith.constant 0 : i32
      %dma_start3A_102 = tpu.memref_slice %arg5[%add3A, %dma_start3A_100, %dma_start3A_101] : memref<32x125x80xi32, #tpu.memory_space<hbm>> -> memref<1x125x80xi32, #tpu.memory_space<hbm>>
      %dma_start3A_103 = tpu.memref_squeeze %dma_start3A_102 : memref<1x125x80xi32, #tpu.memory_space<hbm>> -> memref<125x80xi32, #tpu.memory_space<hbm>>
      tpu.enqueue_dma source(%dma_start3A_103 : memref<125x80xi32, #tpu.memory_space<hbm>>) target(%arg13 : memref<125x80xi32, #tpu.memory_space<vmem>>) target_semaphore(%run_scoped3A : memref<!tpu.dma_semaphore, #tpu.memory_space<semaphore_mem>>)
      %dma_wait3A = arith.constant 0 : i32
      %dma_wait3A_104 = arith.constant 0 : i32
      %dma_wait3A_105 = tpu.memref_slice %arg5[%add3A, %dma_wait3A, %dma_wait3A_104] : memref<32x125x80xi32, #tpu.memory_space<hbm>> -> memref<1x125x80xi32, #tpu.memory_space<hbm>>
      %dma_wait3A_106 = tpu.memref_squeeze %dma_wait3A_105 : memref<1x125x80xi32, #tpu.memory_space<hbm>> -> memref<125x80xi32, #tpu.memory_space<hbm>>
      %dma_wait3A_107 = arith.constant 0 : i32
      %dma_wait3A_108 = arith.constant 0 : i32
      %dma_wait3A_109 = tpu.memref_slice %arg5[%add3A, %dma_wait3A_107, %dma_wait3A_108] : memref<32x125x80xi32, #tpu.memory_space<hbm>> -> memref<1x125x80xi32, #tpu.memory_space<hbm>>
      %dma_wait3A_110 = tpu.memref_squeeze %dma_wait3A_109 : memref<1x125x80xi32, #tpu.memory_space<hbm>> -> memref<125x80xi32, #tpu.memory_space<hbm>>
      tpu.wait_dma2 semaphore(%run_scoped3A : memref<!tpu.dma_semaphore, #tpu.memory_space<semaphore_mem>>) src(%dma_wait3A_110 : memref<125x80xi32, #tpu.memory_space<hbm>>) dst(%arg13 : memref<125x80xi32, #tpu.memory_space<vmem>>)
      tpu.yield
    }) : () -> ()
    "tpu.region"() ({
      %run_scoped3A = tpu.sem_alloc : memref<!tpu.dma_semaphore, #tpu.memory_space<semaphore_mem>>
      %dma_start3A_96 = arith.constant 0 : i32
      %dma_start3A_97 = arith.constant 0 : i32
      %dma_start3A_98 = tpu.memref_slice %arg6[%add3A, %dma_start3A_96, %dma_start3A_97] : memref<32x125x80xi32, #tpu.memory_space<hbm>> -> memref<1x125x80xi32, #tpu.memory_space<hbm>>
      %dma_start3A_99 = tpu.memref_squeeze %dma_start3A_98 : memref<1x125x80xi32, #tpu.memory_space<hbm>> -> memref<125x80xi32, #tpu.memory_space<hbm>>
      %dma_start3A_100 = arith.constant 0 : i32
      %dma_start3A_101 = arith.constant 0 : i32
      %dma_start3A_102 = tpu.memref_slice %arg6[%add3A, %dma_start3A_100, %dma_start3A_101] : memref<32x125x80xi32, #tpu.memory_space<hbm>> -> memref<1x125x80xi32, #tpu.memory_space<hbm>>
      %dma_start3A_103 = tpu.memref_squeeze %dma_start3A_102 : memref<1x125x80xi32, #tpu.memory_space<hbm>> -> memref<125x80xi32, #tpu.memory_space<hbm>>
      tpu.enqueue_dma source(%dma_start3A_103 : memref<125x80xi32, #tpu.memory_space<hbm>>) target(%arg14 : memref<125x80xi32, #tpu.memory_space<vmem>>) target_semaphore(%run_scoped3A : memref<!tpu.dma_semaphore, #tpu.memory_space<semaphore_mem>>)
      %dma_wait3A = arith.constant 0 : i32
      %dma_wait3A_104 = arith.constant 0 : i32
      %dma_wait3A_105 = tpu.memref_slice %arg6[%add3A, %dma_wait3A, %dma_wait3A_104] : memref<32x125x80xi32, #tpu.memory_space<hbm>> -> memref<1x125x80xi32, #tpu.memory_space<hbm>>
      %dma_wait3A_106 = tpu.memref_squeeze %dma_wait3A_105 : memref<1x125x80xi32, #tpu.memory_space<hbm>> -> memref<125x80xi32, #tpu.memory_space<hbm>>
      %dma_wait3A_107 = arith.constant 0 : i32
      %dma_wait3A_108 = arith.constant 0 : i32
      %dma_wait3A_109 = tpu.memref_slice %arg6[%add3A, %dma_wait3A_107, %dma_wait3A_108] : memref<32x125x80xi32, #tpu.memory_space<hbm>> -> memref<1x125x80xi32, #tpu.memory_space<hbm>>
      %dma_wait3A_110 = tpu.memref_squeeze %dma_wait3A_109 : memref<1x125x80xi32, #tpu.memory_space<hbm>> -> memref<125x80xi32, #tpu.memory_space<hbm>>
      tpu.wait_dma2 semaphore(%run_scoped3A : memref<!tpu.dma_semaphore, #tpu.memory_space<semaphore_mem>>) src(%dma_wait3A_110 : memref<125x80xi32, #tpu.memory_space<hbm>>) dst(%arg14 : memref<125x80xi32, #tpu.memory_space<vmem>>)
      tpu.yield
    }) : () -> ()
    %barrier3A = arith.constant 0 : index
    tpu.barrier barrier_id(%barrier3A)
    %dma_start3A = arith.constant 0 : i32
    %dma_start3A_3 = arith.constant 0 : i32
    %dma_start3A_4 = arith.constant 0 : i32
    %dma_start3A_5 = arith.constant 0 : i32
    %dma_start3A_6 = tpu.memref_slice %arg15[%dma_start3A_3, %dma_start3A_4, %dma_start3A_5] : memref<2x80x64xf32, #tpu.memory_space<vmem>> -> memref<1x80x64xf32, #tpu.memory_space<vmem>>
    %dma_start3A_7 = tpu.memref_squeeze %dma_start3A_6 : memref<1x80x64xf32, #tpu.memory_space<vmem>> -> memref<80x64xf32, #tpu.memory_space<vmem>>
    %dma_start3A_8 = arith.constant 0 : i32
    %dma_start3A_9 = tpu.memref_slice %arg12[%dma_start3A, %dma_start3A_8] : memref<125x80xi32, #tpu.memory_space<vmem>> -> memref<1x80xi32, #tpu.memory_space<vmem>>
    %dma_start3A_10 = tpu.memref_squeeze %dma_start3A_9 : memref<1x80xi32, #tpu.memory_space<vmem>> -> memref<80xi32, #tpu.memory_space<vmem>>
    %dma_start3A_11 = arith.constant 0 : i32
    %dma_start3A_12 = arith.constant 0 : i32
    %dma_start3A_13 = tpu.memref_slice %arg2[%dma_start3A_11, %dma_start3A_12] : memref<20000x64xf32, #tpu.memory_space<hbm>> -> memref<20000x64xf32, #tpu.memory_space<hbm>>
    tpu.enqueue_indirect_dma source(%dma_start3A_13 : memref<20000x64xf32, #tpu.memory_space<hbm>>) target(%dma_start3A_7 : memref<80x64xf32, #tpu.memory_space<vmem>>) offsets(%dma_start3A_10 : memref<80xi32, #tpu.memory_space<vmem>>) semaphore(%arg19 : memref<!tpu.dma_semaphore, #tpu.memory_space<semaphore_mem>>)
    %mul3A_14 = arith.constant 10000 : i32
    %mul3A_15 = arith.muli %add3A, %mul3A_14 : i32
    %add3A_16 = arith.constant 0 : i32
    %add3A_17 = arith.addi %mul3A_15, %add3A_16 : i32
    %dma_start3A_18 = arith.constant 0 : i32
    %dma_start3A_19 = arith.constant 0 : i32
    %dma_start3A_20 = arith.constant 0 : i32
    %dma_start3A_21 = tpu.memref_slice %arg16[%dma_start3A_18, %dma_start3A_19, %dma_start3A_20] : memref<2x80x16xf32, #tpu.memory_space<vmem>> -> memref<1x80x16xf32, #tpu.memory_space<vmem>>
    %dma_start3A_22 = tpu.memref_squeeze %dma_start3A_21 : memref<1x80x16xf32, #tpu.memory_space<vmem>> -> memref<80x16xf32, #tpu.memory_space<vmem>>
    %dma_start3A_23 = arith.constant 0 : i32
    %dma_start3A_24 = tpu.memref_slice %arg3[%add3A_17, %dma_start3A_23] : memref<320000x16xf32, #tpu.memory_space<hbm>> -> memref<80x16xf32, #tpu.memory_space<hbm>>
    %dma_start3A_25 = arith.constant 0 : i32
    %dma_start3A_26 = arith.constant 0 : i32
    %dma_start3A_27 = tpu.memref_slice %arg16[%dma_start3A_18, %dma_start3A_25, %dma_start3A_26] : memref<2x80x16xf32, #tpu.memory_space<vmem>> -> memref<1x80x16xf32, #tpu.memory_space<vmem>>
    %dma_start3A_28 = tpu.memref_squeeze %dma_start3A_27 : memref<1x80x16xf32, #tpu.memory_space<vmem>> -> memref<80x16xf32, #tpu.memory_space<vmem>>
    %dma_start3A_29 = arith.constant 0 : i32
    %dma_start3A_30 = tpu.memref_slice %arg3[%add3A_17, %dma_start3A_29] : memref<320000x16xf32, #tpu.memory_space<hbm>> -> memref<80x16xf32, #tpu.memory_space<hbm>>
    tpu.enqueue_dma source(%dma_start3A_30 : memref<80x16xf32, #tpu.memory_space<hbm>>) target(%dma_start3A_28 : memref<80x16xf32, #tpu.memory_space<vmem>>) target_semaphore(%arg21 : memref<!tpu.dma_semaphore, #tpu.memory_space<semaphore_mem>>)
    %dma_start3A_31 = arith.constant 1 : i32
    %dma_start3A_32 = arith.constant 1 : i32
    %dma_start3A_33 = arith.constant 0 : i32
    %dma_start3A_34 = arith.constant 0 : i32
    %dma_start3A_35 = tpu.memref_slice %arg15[%dma_start3A_32, %dma_start3A_33, %dma_start3A_34] : memref<2x80x64xf32, #tpu.memory_space<vmem>> -> memref<1x80x64xf32, #tpu.memory_space<vmem>>
    %dma_start3A_36 = tpu.memref_squeeze %dma_start3A_35 : memref<1x80x64xf32, #tpu.memory_space<vmem>> -> memref<80x64xf32, #tpu.memory_space<vmem>>
    %dma_start3A_37 = arith.constant 0 : i32
    %dma_start3A_38 = tpu.memref_slice %arg12[%dma_start3A_31, %dma_start3A_37] : memref<125x80xi32, #tpu.memory_space<vmem>> -> memref<1x80xi32, #tpu.memory_space<vmem>>
    %dma_start3A_39 = tpu.memref_squeeze %dma_start3A_38 : memref<1x80xi32, #tpu.memory_space<vmem>> -> memref<80xi32, #tpu.memory_space<vmem>>
    %dma_start3A_40 = arith.constant 0 : i32
    %dma_start3A_41 = arith.constant 0 : i32
    %dma_start3A_42 = tpu.memref_slice %arg2[%dma_start3A_40, %dma_start3A_41] : memref<20000x64xf32, #tpu.memory_space<hbm>> -> memref<20000x64xf32, #tpu.memory_space<hbm>>
    tpu.enqueue_indirect_dma source(%dma_start3A_42 : memref<20000x64xf32, #tpu.memory_space<hbm>>) target(%dma_start3A_36 : memref<80x64xf32, #tpu.memory_space<vmem>>) offsets(%dma_start3A_39 : memref<80xi32, #tpu.memory_space<vmem>>) semaphore(%arg20 : memref<!tpu.dma_semaphore, #tpu.memory_space<semaphore_mem>>)
    %mul3A_43 = arith.constant 10000 : i32
    %mul3A_44 = arith.muli %add3A, %mul3A_43 : i32
    %add3A_45 = arith.constant 80 : i32
    %add3A_46 = arith.addi %mul3A_44, %add3A_45 : i32
    %dma_start3A_47 = arith.constant 1 : i32
    %dma_start3A_48 = arith.constant 0 : i32
    %dma_start3A_49 = arith.constant 0 : i32
    %dma_start3A_50 = tpu.memref_slice %arg16[%dma_start3A_47, %dma_start3A_48, %dma_start3A_49] : memref<2x80x16xf32, #tpu.memory_space<vmem>> -> memref<1x80x16xf32, #tpu.memory_space<vmem>>
    %dma_start3A_51 = tpu.memref_squeeze %dma_start3A_50 : memref<1x80x16xf32, #tpu.memory_space<vmem>> -> memref<80x16xf32, #tpu.memory_space<vmem>>
    %dma_start3A_52 = arith.constant 0 : i32
    %dma_start3A_53 = tpu.memref_slice %arg3[%add3A_46, %dma_start3A_52] : memref<320000x16xf32, #tpu.memory_space<hbm>> -> memref<80x16xf32, #tpu.memory_space<hbm>>
    %dma_start3A_54 = arith.constant 0 : i32
    %dma_start3A_55 = arith.constant 0 : i32
    %dma_start3A_56 = tpu.memref_slice %arg16[%dma_start3A_47, %dma_start3A_54, %dma_start3A_55] : memref<2x80x16xf32, #tpu.memory_space<vmem>> -> memref<1x80x16xf32, #tpu.memory_space<vmem>>
    %dma_start3A_57 = tpu.memref_squeeze %dma_start3A_56 : memref<1x80x16xf32, #tpu.memory_space<vmem>> -> memref<80x16xf32, #tpu.memory_space<vmem>>
    %dma_start3A_58 = arith.constant 0 : i32
    %dma_start3A_59 = tpu.memref_slice %arg3[%add3A_46, %dma_start3A_58] : memref<320000x16xf32, #tpu.memory_space<hbm>> -> memref<80x16xf32, #tpu.memory_space<hbm>>
    tpu.enqueue_dma source(%dma_start3A_59 : memref<80x16xf32, #tpu.memory_space<hbm>>) target(%dma_start3A_57 : memref<80x16xf32, #tpu.memory_space<vmem>>) target_semaphore(%arg22 : memref<!tpu.dma_semaphore, #tpu.memory_space<semaphore_mem>>)
    %scan3A = arith.constant 0 : i32
    %scan3A_60 = arith.constant 63 : i32
    %scan3A_61 = arith.addi %scan3A, %scan3A_60 : i32
    %scan3A_62 = arith.constant 1 : i32
    scf.for %scan3A_96 = %scan3A to %scan3A_61 step %scan3A_62  : i32 {
      %mul3A_97 = arith.constant 2 : i32
      %mul3A_98 = arith.muli %scan3A_96, %mul3A_97 : i32
      %add3A_99 = arith.constant 0 : i32
      %add3A_100 = arith.addi %add3A_99, %mul3A_98 : i32
      %add3A_101 = arith.constant 0 : i32
      %add3A_102 = arith.addi %add3A_100, %add3A_101 : i32
      %lt3A = arith.constant 125 : i32
      %lt3A_103 = arith.cmpi slt, %add3A_102, %lt3A : i32
      %convert_element_type3A = arith.extui %lt3A_103 : i1 to i32
      %cond3A = arith.constant 0 : i32
      %cond3A_104 = arith.cmpi ne, %convert_element_type3A, %cond3A : i32
      scf.if %cond3A_104 {
        %dma_wait3A = arith.constant 0 : i32
        %dma_wait3A_112 = arith.constant 0 : i32
        %dma_wait3A_113 = arith.constant 0 : i32
        %dma_wait3A_114 = tpu.memref_slice %arg15[%dma_wait3A, %dma_wait3A_112, %dma_wait3A_113] : memref<2x80x64xf32, #tpu.memory_space<vmem>> -> memref<1x80x64xf32, #tpu.memory_space<vmem>>
        %dma_wait3A_115 = tpu.memref_squeeze %dma_wait3A_114 : memref<1x80x64xf32, #tpu.memory_space<vmem>> -> memref<80x64xf32, #tpu.memory_space<vmem>>
        %dma_wait3A_116 = arith.constant 0 : i32
        %dma_wait3A_117 = tpu.memref_slice %arg12[%add3A_102, %dma_wait3A_116] : memref<125x80xi32, #tpu.memory_space<vmem>> -> memref<1x80xi32, #tpu.memory_space<vmem>>
        %dma_wait3A_118 = tpu.memref_squeeze %dma_wait3A_117 : memref<1x80xi32, #tpu.memory_space<vmem>> -> memref<80xi32, #tpu.memory_space<vmem>>
        %dma_wait3A_119 = arith.constant 0 : i32
        %dma_wait3A_120 = arith.constant 0 : i32
        %dma_wait3A_121 = tpu.memref_slice %arg2[%dma_wait3A_119, %dma_wait3A_120] : memref<20000x64xf32, #tpu.memory_space<hbm>> -> memref<20000x64xf32, #tpu.memory_space<hbm>>
        tpu.wait_indirect_dma semaphore(%arg19 : memref<!tpu.dma_semaphore, #tpu.memory_space<semaphore_mem>>) src(%dma_wait3A_121 : memref<20000x64xf32, #tpu.memory_space<hbm>>) dst(%dma_wait3A_115 : memref<80x64xf32, #tpu.memory_space<vmem>>)
        %run_scoped3A = arith.constant 0 : i32
        "tpu.region"() ({
          %run_scoped3A_148 = tpu.sem_alloc : memref<!tpu.dma_semaphore, #tpu.memory_space<semaphore_mem>>
          %dma_start3A_149 = arith.constant 0 : i32
          %dma_start3A_150 = arith.constant 0 : i32
          %dma_start3A_151 = tpu.memref_slice %arg15[%run_scoped3A, %dma_start3A_149, %dma_start3A_150] : memref<2x80x64xf32, #tpu.memory_space<vmem>> -> memref<1x80x64xf32, #tpu.memory_space<vmem>>
          %dma_start3A_152 = tpu.memref_squeeze %dma_start3A_151 : memref<1x80x64xf32, #tpu.memory_space<vmem>> -> memref<80x64xf32, #tpu.memory_space<vmem>>
          %dma_start3A_153 = arith.constant 0 : i32
          %dma_start3A_154 = tpu.memref_slice %arg14[%add3A_102, %dma_start3A_153] : memref<125x80xi32, #tpu.memory_space<vmem>> -> memref<1x80xi32, #tpu.memory_space<vmem>>
          %dma_start3A_155 = tpu.memref_squeeze %dma_start3A_154 : memref<1x80xi32, #tpu.memory_space<vmem>> -> memref<80xi32, #tpu.memory_space<vmem>>
          %dma_start3A_156 = arith.constant 0 : i32
          %dma_start3A_157 = arith.constant 0 : i32
          %dma_start3A_158 = tpu.memref_slice %arg17[%dma_start3A_156, %dma_start3A_157] : memref<10240x64xf32, #tpu.memory_space<vmem_shared>> -> memref<10240x64xf32, #tpu.memory_space<vmem_shared>>
          tpu.enqueue_indirect_dma source(%dma_start3A_152 : memref<80x64xf32, #tpu.memory_space<vmem>>) target(%dma_start3A_158 : memref<10240x64xf32, #tpu.memory_space<vmem_shared>>) offsets(%dma_start3A_155 : memref<80xi32, #tpu.memory_space<vmem>>) semaphore(%run_scoped3A_148 : memref<!tpu.dma_semaphore, #tpu.memory_space<semaphore_mem>>) {add = true}
          %dma_wait3A_159 = arith.constant 0 : i32
          %dma_wait3A_160 = arith.constant 0 : i32
          %dma_wait3A_161 = tpu.memref_slice %arg15[%run_scoped3A, %dma_wait3A_159, %dma_wait3A_160] : memref<2x80x64xf32, #tpu.memory_space<vmem>> -> memref<1x80x64xf32, #tpu.memory_space<vmem>>
          %dma_wait3A_162 = tpu.memref_squeeze %dma_wait3A_161 : memref<1x80x64xf32, #tpu.memory_space<vmem>> -> memref<80x64xf32, #tpu.memory_space<vmem>>
          %dma_wait3A_163 = arith.constant 0 : i32
          %dma_wait3A_164 = tpu.memref_slice %arg14[%add3A_102, %dma_wait3A_163] : memref<125x80xi32, #tpu.memory_space<vmem>> -> memref<1x80xi32, #tpu.memory_space<vmem>>
          %dma_wait3A_165 = tpu.memref_squeeze %dma_wait3A_164 : memref<1x80xi32, #tpu.memory_space<vmem>> -> memref<80xi32, #tpu.memory_space<vmem>>
          %dma_wait3A_166 = arith.constant 0 : i32
          %dma_wait3A_167 = arith.constant 0 : i32
          %dma_wait3A_168 = tpu.memref_slice %arg17[%dma_wait3A_166, %dma_wait3A_167] : memref<10240x64xf32, #tpu.memory_space<vmem_shared>> -> memref<10240x64xf32, #tpu.memory_space<vmem_shared>>
          tpu.wait_indirect_dma semaphore(%run_scoped3A_148 : memref<!tpu.dma_semaphore, #tpu.memory_space<semaphore_mem>>) src(%dma_wait3A_162 : memref<80x64xf32, #tpu.memory_space<vmem>>) dst(%dma_wait3A_168 : memref<10240x64xf32, #tpu.memory_space<vmem_shared>>)
          tpu.yield
        }) : () -> ()
        %mul3A_122 = arith.constant 10000 : i32
        %mul3A_123 = arith.muli %add3A, %mul3A_122 : i32
        %mul3A_124 = arith.constant 80 : i32
        %mul3A_125 = arith.muli %add3A_102, %mul3A_124 : i32
        %add3A_126 = arith.addi %mul3A_123, %mul3A_125 : i32
        %dma_wait3A_127 = arith.constant 0 : i32
        %dma_wait3A_128 = arith.constant 0 : i32
        %dma_wait3A_129 = arith.constant 0 : i32
        %dma_wait3A_130 = tpu.memref_slice %arg16[%dma_wait3A_127, %dma_wait3A_128, %dma_wait3A_129] : memref<2x80x16xf32, #tpu.memory_space<vmem>> -> memref<1x80x16xf32, #tpu.memory_space<vmem>>
        %dma_wait3A_131 = tpu.memref_squeeze %dma_wait3A_130 : memref<1x80x16xf32, #tpu.memory_space<vmem>> -> memref<80x16xf32, #tpu.memory_space<vmem>>
        %dma_wait3A_132 = arith.constant 0 : i32
        %dma_wait3A_133 = tpu.memref_slice %arg3[%add3A_126, %dma_wait3A_132] : memref<320000x16xf32, #tpu.memory_space<hbm>> -> memref<80x16xf32, #tpu.memory_space<hbm>>
        %dma_wait3A_134 = arith.constant 0 : i32
        %dma_wait3A_135 = arith.constant 0 : i32
        %dma_wait3A_136 = tpu.memref_slice %arg16[%dma_wait3A_127, %dma_wait3A_134, %dma_wait3A_135] : memref<2x80x16xf32, #tpu.memory_space<vmem>> -> memref<1x80x16xf32, #tpu.memory_space<vmem>>
        %dma_wait3A_137 = tpu.memref_squeeze %dma_wait3A_136 : memref<1x80x16xf32, #tpu.memory_space<vmem>> -> memref<80x16xf32, #tpu.memory_space<vmem>>
        %dma_wait3A_138 = arith.constant 0 : i32
        %dma_wait3A_139 = tpu.memref_slice %arg3[%add3A_126, %dma_wait3A_138] : memref<320000x16xf32, #tpu.memory_space<hbm>> -> memref<80x16xf32, #tpu.memory_space<hbm>>
        tpu.wait_dma2 semaphore(%arg21 : memref<!tpu.dma_semaphore, #tpu.memory_space<semaphore_mem>>) src(%dma_wait3A_139 : memref<80x16xf32, #tpu.memory_space<hbm>>) dst(%dma_wait3A_137 : memref<80x16xf32, #tpu.memory_space<vmem>>)
        %run_scoped3A_140 = arith.constant 0 : i32
        "tpu.region"() ({
          %run_scoped3A_148 = tpu.sem_alloc : memref<!tpu.dma_semaphore, #tpu.memory_space<semaphore_mem>>
          %dma_start3A_149 = arith.constant 0 : i32
          %dma_start3A_150 = arith.constant 0 : i32
          %dma_start3A_151 = tpu.memref_slice %arg16[%run_scoped3A_140, %dma_start3A_149, %dma_start3A_150] : memref<2x80x16xf32, #tpu.memory_space<vmem>> -> memref<1x80x16xf32, #tpu.memory_space<vmem>>
          %dma_start3A_152 = tpu.memref_squeeze %dma_start3A_151 : memref<1x80x16xf32, #tpu.memory_space<vmem>> -> memref<80x16xf32, #tpu.memory_space<vmem>>
          %dma_start3A_153 = arith.constant 0 : i32
          %dma_start3A_154 = tpu.memref_slice %arg14[%add3A_102, %dma_start3A_153] : memref<125x80xi32, #tpu.memory_space<vmem>> -> memref<1x80xi32, #tpu.memory_space<vmem>>
          %dma_start3A_155 = tpu.memref_squeeze %dma_start3A_154 : memref<1x80xi32, #tpu.memory_space<vmem>> -> memref<80xi32, #tpu.memory_space<vmem>>
          %dma_start3A_156 = arith.constant 0 : i32
          %dma_start3A_157 = arith.constant 0 : i32
          %dma_start3A_158 = tpu.memref_slice %arg18[%dma_start3A_156, %dma_start3A_157] : memref<10240x16xf32, #tpu.memory_space<vmem_shared>> -> memref<10240x16xf32, #tpu.memory_space<vmem_shared>>
          tpu.enqueue_indirect_dma source(%dma_start3A_152 : memref<80x16xf32, #tpu.memory_space<vmem>>) target(%dma_start3A_158 : memref<10240x16xf32, #tpu.memory_space<vmem_shared>>) offsets(%dma_start3A_155 : memref<80xi32, #tpu.memory_space<vmem>>) semaphore(%run_scoped3A_148 : memref<!tpu.dma_semaphore, #tpu.memory_space<semaphore_mem>>) {add = true}
          %dma_wait3A_159 = arith.constant 0 : i32
          %dma_wait3A_160 = arith.constant 0 : i32
          %dma_wait3A_161 = tpu.memref_slice %arg16[%run_scoped3A_140, %dma_wait3A_159, %dma_wait3A_160] : memref<2x80x16xf32, #tpu.memory_space<vmem>> -> memref<1x80x16xf32, #tpu.memory_space<vmem>>
          %dma_wait3A_162 = tpu.memref_squeeze %dma_wait3A_161 : memref<1x80x16xf32, #tpu.memory_space<vmem>> -> memref<80x16xf32, #tpu.memory_space<vmem>>
          %dma_wait3A_163 = arith.constant 0 : i32
          %dma_wait3A_164 = tpu.memref_slice %arg14[%add3A_102, %dma_wait3A_163] : memref<125x80xi32, #tpu.memory_space<vmem>> -> memref<1x80xi32, #tpu.memory_space<vmem>>
          %dma_wait3A_165 = tpu.memref_squeeze %dma_wait3A_164 : memref<1x80xi32, #tpu.memory_space<vmem>> -> memref<80xi32, #tpu.memory_space<vmem>>
          %dma_wait3A_166 = arith.constant 0 : i32
          %dma_wait3A_167 = arith.constant 0 : i32
          %dma_wait3A_168 = tpu.memref_slice %arg18[%dma_wait3A_166, %dma_wait3A_167] : memref<10240x16xf32, #tpu.memory_space<vmem_shared>> -> memref<10240x16xf32, #tpu.memory_space<vmem_shared>>
          tpu.wait_indirect_dma semaphore(%run_scoped3A_148 : memref<!tpu.dma_semaphore, #tpu.memory_space<semaphore_mem>>) src(%dma_wait3A_162 : memref<80x16xf32, #tpu.memory_space<vmem>>) dst(%dma_wait3A_168 : memref<10240x16xf32, #tpu.memory_space<vmem_shared>>)
          tpu.yield
        }) : () -> ()
        %add3A_141 = arith.constant 2 : i32
        %add3A_142 = arith.addi %add3A_102, %add3A_141 : i32
        %lt3A_143 = arith.constant 125 : i32
        %lt3A_144 = arith.cmpi slt, %add3A_142, %lt3A_143 : i32
        %convert_element_type3A_145 = arith.extui %lt3A_144 : i1 to i32
        %cond3A_146 = arith.constant 0 : i32
        %cond3A_147 = arith.cmpi ne, %convert_element_type3A_145, %cond3A_146 : i32
        scf.if %cond3A_147 {
          %add3A_148 = arith.constant 2 : i32
          %add3A_149 = arith.addi %add3A_102, %add3A_148 : i32
          %dma_start3A_150 = arith.constant 0 : i32
          %dma_start3A_151 = arith.constant 0 : i32
          %dma_start3A_152 = arith.constant 0 : i32
          %dma_start3A_153 = tpu.memref_slice %arg15[%dma_start3A_150, %dma_start3A_151, %dma_start3A_152] : memref<2x80x64xf32, #tpu.memory_space<vmem>> -> memref<1x80x64xf32, #tpu.memory_space<vmem>>
          %dma_start3A_154 = tpu.memref_squeeze %dma_start3A_153 : memref<1x80x64xf32, #tpu.memory_space<vmem>> -> memref<80x64xf32, #tpu.memory_space<vmem>>
          %dma_start3A_155 = arith.constant 0 : i32
          %dma_start3A_156 = tpu.memref_slice %arg12[%add3A_149, %dma_start3A_155] : memref<125x80xi32, #tpu.memory_space<vmem>> -> memref<1x80xi32, #tpu.memory_space<vmem>>
          %dma_start3A_157 = tpu.memref_squeeze %dma_start3A_156 : memref<1x80xi32, #tpu.memory_space<vmem>> -> memref<80xi32, #tpu.memory_space<vmem>>
          %dma_start3A_158 = arith.constant 0 : i32
          %dma_start3A_159 = arith.constant 0 : i32
          %dma_start3A_160 = tpu.memref_slice %arg2[%dma_start3A_158, %dma_start3A_159] : memref<20000x64xf32, #tpu.memory_space<hbm>> -> memref<20000x64xf32, #tpu.memory_space<hbm>>
          tpu.enqueue_indirect_dma source(%dma_start3A_160 : memref<20000x64xf32, #tpu.memory_space<hbm>>) target(%dma_start3A_154 : memref<80x64xf32, #tpu.memory_space<vmem>>) offsets(%dma_start3A_157 : memref<80xi32, #tpu.memory_space<vmem>>) semaphore(%arg19 : memref<!tpu.dma_semaphore, #tpu.memory_space<semaphore_mem>>)
          %mul3A_161 = arith.constant 10000 : i32
          %mul3A_162 = arith.muli %add3A, %mul3A_161 : i32
          %add3A_163 = arith.constant 2 : i32
          %add3A_164 = arith.addi %add3A_102, %add3A_163 : i32
          %mul3A_165 = arith.constant 80 : i32
          %mul3A_166 = arith.muli %add3A_164, %mul3A_165 : i32
          %add3A_167 = arith.addi %mul3A_162, %mul3A_166 : i32
          %dma_start3A_168 = arith.constant 0 : i32
          %dma_start3A_169 = arith.constant 0 : i32
          %dma_start3A_170 = arith.constant 0 : i32
          %dma_start3A_171 = tpu.memref_slice %arg16[%dma_start3A_168, %dma_start3A_169, %dma_start3A_170] : memref<2x80x16xf32, #tpu.memory_space<vmem>> -> memref<1x80x16xf32, #tpu.memory_space<vmem>>
          %dma_start3A_172 = tpu.memref_squeeze %dma_start3A_171 : memref<1x80x16xf32, #tpu.memory_space<vmem>> -> memref<80x16xf32, #tpu.memory_space<vmem>>
          %dma_start3A_173 = arith.constant 0 : i32
          %dma_start3A_174 = tpu.memref_slice %arg3[%add3A_167, %dma_start3A_173] : memref<320000x16xf32, #tpu.memory_space<hbm>> -> memref<80x16xf32, #tpu.memory_space<hbm>>
          %dma_start3A_175 = arith.constant 0 : i32
          %dma_start3A_176 = arith.constant 0 : i32
          %dma_start3A_177 = tpu.memref_slice %arg16[%dma_start3A_168, %dma_start3A_175, %dma_start3A_176] : memref<2x80x16xf32, #tpu.memory_space<vmem>> -> memref<1x80x16xf32, #tpu.memory_space<vmem>>
          %dma_start3A_178 = tpu.memref_squeeze %dma_start3A_177 : memref<1x80x16xf32, #tpu.memory_space<vmem>> -> memref<80x16xf32, #tpu.memory_space<vmem>>
          %dma_start3A_179 = arith.constant 0 : i32
          %dma_start3A_180 = tpu.memref_slice %arg3[%add3A_167, %dma_start3A_179] : memref<320000x16xf32, #tpu.memory_space<hbm>> -> memref<80x16xf32, #tpu.memory_space<hbm>>
          tpu.enqueue_dma source(%dma_start3A_180 : memref<80x16xf32, #tpu.memory_space<hbm>>) target(%dma_start3A_178 : memref<80x16xf32, #tpu.memory_space<vmem>>) target_semaphore(%arg21 : memref<!tpu.dma_semaphore, #tpu.memory_space<semaphore_mem>>)
        } else {
        }
      } else {
      }
      %add3A_105 = arith.constant 1 : i32
      %add3A_106 = arith.addi %add3A_100, %add3A_105 : i32
      %lt3A_107 = arith.constant 125 : i32
      %lt3A_108 = arith.cmpi slt, %add3A_106, %lt3A_107 : i32
      %convert_element_type3A_109 = arith.extui %lt3A_108 : i1 to i32
      %cond3A_110 = arith.constant 0 : i32
      %cond3A_111 = arith.cmpi ne, %convert_element_type3A_109, %cond3A_110 : i32
      scf.if %cond3A_111 {
        %dma_wait3A = arith.constant 1 : i32
        %dma_wait3A_112 = arith.constant 0 : i32
        %dma_wait3A_113 = arith.constant 0 : i32
        %dma_wait3A_114 = tpu.memref_slice %arg15[%dma_wait3A, %dma_wait3A_112, %dma_wait3A_113] : memref<2x80x64xf32, #tpu.memory_space<vmem>> -> memref<1x80x64xf32, #tpu.memory_space<vmem>>
        %dma_wait3A_115 = tpu.memref_squeeze %dma_wait3A_114 : memref<1x80x64xf32, #tpu.memory_space<vmem>> -> memref<80x64xf32, #tpu.memory_space<vmem>>
        %dma_wait3A_116 = arith.constant 0 : i32
        %dma_wait3A_117 = tpu.memref_slice %arg12[%add3A_106, %dma_wait3A_116] : memref<125x80xi32, #tpu.memory_space<vmem>> -> memref<1x80xi32, #tpu.memory_space<vmem>>
        %dma_wait3A_118 = tpu.memref_squeeze %dma_wait3A_117 : memref<1x80xi32, #tpu.memory_space<vmem>> -> memref<80xi32, #tpu.memory_space<vmem>>
        %dma_wait3A_119 = arith.constant 0 : i32
        %dma_wait3A_120 = arith.constant 0 : i32
        %dma_wait3A_121 = tpu.memref_slice %arg2[%dma_wait3A_119, %dma_wait3A_120] : memref<20000x64xf32, #tpu.memory_space<hbm>> -> memref<20000x64xf32, #tpu.memory_space<hbm>>
        tpu.wait_indirect_dma semaphore(%arg20 : memref<!tpu.dma_semaphore, #tpu.memory_space<semaphore_mem>>) src(%dma_wait3A_121 : memref<20000x64xf32, #tpu.memory_space<hbm>>) dst(%dma_wait3A_115 : memref<80x64xf32, #tpu.memory_space<vmem>>)
        %run_scoped3A = arith.constant 1 : i32
        "tpu.region"() ({
          %run_scoped3A_148 = tpu.sem_alloc : memref<!tpu.dma_semaphore, #tpu.memory_space<semaphore_mem>>
          %dma_start3A_149 = arith.constant 0 : i32
          %dma_start3A_150 = arith.constant 0 : i32
          %dma_start3A_151 = tpu.memref_slice %arg15[%run_scoped3A, %dma_start3A_149, %dma_start3A_150] : memref<2x80x64xf32, #tpu.memory_space<vmem>> -> memref<1x80x64xf32, #tpu.memory_space<vmem>>
          %dma_start3A_152 = tpu.memref_squeeze %dma_start3A_151 : memref<1x80x64xf32, #tpu.memory_space<vmem>> -> memref<80x64xf32, #tpu.memory_space<vmem>>
          %dma_start3A_153 = arith.constant 0 : i32
          %dma_start3A_154 = tpu.memref_slice %arg14[%add3A_106, %dma_start3A_153] : memref<125x80xi32, #tpu.memory_space<vmem>> -> memref<1x80xi32, #tpu.memory_space<vmem>>
          %dma_start3A_155 = tpu.memref_squeeze %dma_start3A_154 : memref<1x80xi32, #tpu.memory_space<vmem>> -> memref<80xi32, #tpu.memory_space<vmem>>
          %dma_start3A_156 = arith.constant 0 : i32
          %dma_start3A_157 = arith.constant 0 : i32
          %dma_start3A_158 = tpu.memref_slice %arg17[%dma_start3A_156, %dma_start3A_157] : memref<10240x64xf32, #tpu.memory_space<vmem_shared>> -> memref<10240x64xf32, #tpu.memory_space<vmem_shared>>
          tpu.enqueue_indirect_dma source(%dma_start3A_152 : memref<80x64xf32, #tpu.memory_space<vmem>>) target(%dma_start3A_158 : memref<10240x64xf32, #tpu.memory_space<vmem_shared>>) offsets(%dma_start3A_155 : memref<80xi32, #tpu.memory_space<vmem>>) semaphore(%run_scoped3A_148 : memref<!tpu.dma_semaphore, #tpu.memory_space<semaphore_mem>>) {add = true}
          %dma_wait3A_159 = arith.constant 0 : i32
          %dma_wait3A_160 = arith.constant 0 : i32
          %dma_wait3A_161 = tpu.memref_slice %arg15[%run_scoped3A, %dma_wait3A_159, %dma_wait3A_160] : memref<2x80x64xf32, #tpu.memory_space<vmem>> -> memref<1x80x64xf32, #tpu.memory_space<vmem>>
          %dma_wait3A_162 = tpu.memref_squeeze %dma_wait3A_161 : memref<1x80x64xf32, #tpu.memory_space<vmem>> -> memref<80x64xf32, #tpu.memory_space<vmem>>
          %dma_wait3A_163 = arith.constant 0 : i32
          %dma_wait3A_164 = tpu.memref_slice %arg14[%add3A_106, %dma_wait3A_163] : memref<125x80xi32, #tpu.memory_space<vmem>> -> memref<1x80xi32, #tpu.memory_space<vmem>>
          %dma_wait3A_165 = tpu.memref_squeeze %dma_wait3A_164 : memref<1x80xi32, #tpu.memory_space<vmem>> -> memref<80xi32, #tpu.memory_space<vmem>>
          %dma_wait3A_166 = arith.constant 0 : i32
          %dma_wait3A_167 = arith.constant 0 : i32
          %dma_wait3A_168 = tpu.memref_slice %arg17[%dma_wait3A_166, %dma_wait3A_167] : memref<10240x64xf32, #tpu.memory_space<vmem_shared>> -> memref<10240x64xf32, #tpu.memory_space<vmem_shared>>
          tpu.wait_indirect_dma semaphore(%run_scoped3A_148 : memref<!tpu.dma_semaphore, #tpu.memory_space<semaphore_mem>>) src(%dma_wait3A_162 : memref<80x64xf32, #tpu.memory_space<vmem>>) dst(%dma_wait3A_168 : memref<10240x64xf32, #tpu.memory_space<vmem_shared>>)
          tpu.yield
        }) : () -> ()
        %mul3A_122 = arith.constant 10000 : i32
        %mul3A_123 = arith.muli %add3A, %mul3A_122 : i32
        %mul3A_124 = arith.constant 80 : i32
        %mul3A_125 = arith.muli %add3A_106, %mul3A_124 : i32
        %add3A_126 = arith.addi %mul3A_123, %mul3A_125 : i32
        %dma_wait3A_127 = arith.constant 1 : i32
        %dma_wait3A_128 = arith.constant 0 : i32
        %dma_wait3A_129 = arith.constant 0 : i32
        %dma_wait3A_130 = tpu.memref_slice %arg16[%dma_wait3A_127, %dma_wait3A_128, %dma_wait3A_129] : memref<2x80x16xf32, #tpu.memory_space<vmem>> -> memref<1x80x16xf32, #tpu.memory_space<vmem>>
        %dma_wait3A_131 = tpu.memref_squeeze %dma_wait3A_130 : memref<1x80x16xf32, #tpu.memory_space<vmem>> -> memref<80x16xf32, #tpu.memory_space<vmem>>
        %dma_wait3A_132 = arith.constant 0 : i32
        %dma_wait3A_133 = tpu.memref_slice %arg3[%add3A_126, %dma_wait3A_132] : memref<320000x16xf32, #tpu.memory_space<hbm>> -> memref<80x16xf32, #tpu.memory_space<hbm>>
        %dma_wait3A_134 = arith.constant 0 : i32
        %dma_wait3A_135 = arith.constant 0 : i32
        %dma_wait3A_136 = tpu.memref_slice %arg16[%dma_wait3A_127, %dma_wait3A_134, %dma_wait3A_135] : memref<2x80x16xf32, #tpu.memory_space<vmem>> -> memref<1x80x16xf32, #tpu.memory_space<vmem>>
        %dma_wait3A_137 = tpu.memref_squeeze %dma_wait3A_136 : memref<1x80x16xf32, #tpu.memory_space<vmem>> -> memref<80x16xf32, #tpu.memory_space<vmem>>
        %dma_wait3A_138 = arith.constant 0 : i32
        %dma_wait3A_139 = tpu.memref_slice %arg3[%add3A_126, %dma_wait3A_138] : memref<320000x16xf32, #tpu.memory_space<hbm>> -> memref<80x16xf32, #tpu.memory_space<hbm>>
        tpu.wait_dma2 semaphore(%arg22 : memref<!tpu.dma_semaphore, #tpu.memory_space<semaphore_mem>>) src(%dma_wait3A_139 : memref<80x16xf32, #tpu.memory_space<hbm>>) dst(%dma_wait3A_137 : memref<80x16xf32, #tpu.memory_space<vmem>>)
        %run_scoped3A_140 = arith.constant 1 : i32
        "tpu.region"() ({
          %run_scoped3A_148 = tpu.sem_alloc : memref<!tpu.dma_semaphore, #tpu.memory_space<semaphore_mem>>
          %dma_start3A_149 = arith.constant 0 : i32
          %dma_start3A_150 = arith.constant 0 : i32
          %dma_start3A_151 = tpu.memref_slice %arg16[%run_scoped3A_140, %dma_start3A_149, %dma_start3A_150] : memref<2x80x16xf32, #tpu.memory_space<vmem>> -> memref<1x80x16xf32, #tpu.memory_space<vmem>>
          %dma_start3A_152 = tpu.memref_squeeze %dma_start3A_151 : memref<1x80x16xf32, #tpu.memory_space<vmem>> -> memref<80x16xf32, #tpu.memory_space<vmem>>
          %dma_start3A_153 = arith.constant 0 : i32
          %dma_start3A_154 = tpu.memref_slice %arg14[%add3A_106, %dma_start3A_153] : memref<125x80xi32, #tpu.memory_space<vmem>> -> memref<1x80xi32, #tpu.memory_space<vmem>>
          %dma_start3A_155 = tpu.memref_squeeze %dma_start3A_154 : memref<1x80xi32, #tpu.memory_space<vmem>> -> memref<80xi32, #tpu.memory_space<vmem>>
          %dma_start3A_156 = arith.constant 0 : i32
          %dma_start3A_157 = arith.constant 0 : i32
          %dma_start3A_158 = tpu.memref_slice %arg18[%dma_start3A_156, %dma_start3A_157] : memref<10240x16xf32, #tpu.memory_space<vmem_shared>> -> memref<10240x16xf32, #tpu.memory_space<vmem_shared>>
          tpu.enqueue_indirect_dma source(%dma_start3A_152 : memref<80x16xf32, #tpu.memory_space<vmem>>) target(%dma_start3A_158 : memref<10240x16xf32, #tpu.memory_space<vmem_shared>>) offsets(%dma_start3A_155 : memref<80xi32, #tpu.memory_space<vmem>>) semaphore(%run_scoped3A_148 : memref<!tpu.dma_semaphore, #tpu.memory_space<semaphore_mem>>) {add = true}
          %dma_wait3A_159 = arith.constant 0 : i32
          %dma_wait3A_160 = arith.constant 0 : i32
          %dma_wait3A_161 = tpu.memref_slice %arg16[%run_scoped3A_140, %dma_wait3A_159, %dma_wait3A_160] : memref<2x80x16xf32, #tpu.memory_space<vmem>> -> memref<1x80x16xf32, #tpu.memory_space<vmem>>
          %dma_wait3A_162 = tpu.memref_squeeze %dma_wait3A_161 : memref<1x80x16xf32, #tpu.memory_space<vmem>> -> memref<80x16xf32, #tpu.memory_space<vmem>>
          %dma_wait3A_163 = arith.constant 0 : i32
          %dma_wait3A_164 = tpu.memref_slice %arg14[%add3A_106, %dma_wait3A_163] : memref<125x80xi32, #tpu.memory_space<vmem>> -> memref<1x80xi32, #tpu.memory_space<vmem>>
          %dma_wait3A_165 = tpu.memref_squeeze %dma_wait3A_164 : memref<1x80xi32, #tpu.memory_space<vmem>> -> memref<80xi32, #tpu.memory_space<vmem>>
          %dma_wait3A_166 = arith.constant 0 : i32
          %dma_wait3A_167 = arith.constant 0 : i32
          %dma_wait3A_168 = tpu.memref_slice %arg18[%dma_wait3A_166, %dma_wait3A_167] : memref<10240x16xf32, #tpu.memory_space<vmem_shared>> -> memref<10240x16xf32, #tpu.memory_space<vmem_shared>>
          tpu.wait_indirect_dma semaphore(%run_scoped3A_148 : memref<!tpu.dma_semaphore, #tpu.memory_space<semaphore_mem>>) src(%dma_wait3A_162 : memref<80x16xf32, #tpu.memory_space<vmem>>) dst(%dma_wait3A_168 : memref<10240x16xf32, #tpu.memory_space<vmem_shared>>)
          tpu.yield
        }) : () -> ()
        %add3A_141 = arith.constant 2 : i32
        %add3A_142 = arith.addi %add3A_106, %add3A_141 : i32
        %lt3A_143 = arith.constant 125 : i32
        %lt3A_144 = arith.cmpi slt, %add3A_142, %lt3A_143 : i32
        %convert_element_type3A_145 = arith.extui %lt3A_144 : i1 to i32
        %cond3A_146 = arith.constant 0 : i32
        %cond3A_147 = arith.cmpi ne, %convert_element_type3A_145, %cond3A_146 : i32
        scf.if %cond3A_147 {
          %add3A_148 = arith.constant 2 : i32
          %add3A_149 = arith.addi %add3A_106, %add3A_148 : i32
          %dma_start3A_150 = arith.constant 1 : i32
          %dma_start3A_151 = arith.constant 0 : i32
          %dma_start3A_152 = arith.constant 0 : i32
          %dma_start3A_153 = tpu.memref_slice %arg15[%dma_start3A_150, %dma_start3A_151, %dma_start3A_152] : memref<2x80x64xf32, #tpu.memory_space<vmem>> -> memref<1x80x64xf32, #tpu.memory_space<vmem>>
          %dma_start3A_154 = tpu.memref_squeeze %dma_start3A_153 : memref<1x80x64xf32, #tpu.memory_space<vmem>> -> memref<80x64xf32, #tpu.memory_space<vmem>>
          %dma_start3A_155 = arith.constant 0 : i32
          %dma_start3A_156 = tpu.memref_slice %arg12[%add3A_149, %dma_start3A_155] : memref<125x80xi32, #tpu.memory_space<vmem>> -> memref<1x80xi32, #tpu.memory_space<vmem>>
          %dma_start3A_157 = tpu.memref_squeeze %dma_start3A_156 : memref<1x80xi32, #tpu.memory_space<vmem>> -> memref<80xi32, #tpu.memory_space<vmem>>
          %dma_start3A_158 = arith.constant 0 : i32
          %dma_start3A_159 = arith.constant 0 : i32
          %dma_start3A_160 = tpu.memref_slice %arg2[%dma_start3A_158, %dma_start3A_159] : memref<20000x64xf32, #tpu.memory_space<hbm>> -> memref<20000x64xf32, #tpu.memory_space<hbm>>
          tpu.enqueue_indirect_dma source(%dma_start3A_160 : memref<20000x64xf32, #tpu.memory_space<hbm>>) target(%dma_start3A_154 : memref<80x64xf32, #tpu.memory_space<vmem>>) offsets(%dma_start3A_157 : memref<80xi32, #tpu.memory_space<vmem>>) semaphore(%arg20 : memref<!tpu.dma_semaphore, #tpu.memory_space<semaphore_mem>>)
          %mul3A_161 = arith.constant 10000 : i32
          %mul3A_162 = arith.muli %add3A, %mul3A_161 : i32
          %add3A_163 = arith.constant 2 : i32
          %add3A_164 = arith.addi %add3A_106, %add3A_163 : i32
          %mul3A_165 = arith.constant 80 : i32
          %mul3A_166 = arith.muli %add3A_164, %mul3A_165 : i32
          %add3A_167 = arith.addi %mul3A_162, %mul3A_166 : i32
          %dma_start3A_168 = arith.constant 1 : i32
          %dma_start3A_169 = arith.constant 0 : i32
          %dma_start3A_170 = arith.constant 0 : i32
          %dma_start3A_171 = tpu.memref_slice %arg16[%dma_start3A_168, %dma_start3A_169, %dma_start3A_170] : memref<2x80x16xf32, #tpu.memory_space<vmem>> -> memref<1x80x16xf32, #tpu.memory_space<vmem>>
          %dma_start3A_172 = tpu.memref_squeeze %dma_start3A_171 : memref<1x80x16xf32, #tpu.memory_space<vmem>> -> memref<80x16xf32, #tpu.memory_space<vmem>>
          %dma_start3A_173 = arith.constant 0 : i32
          %dma_start3A_174 = tpu.memref_slice %arg3[%add3A_167, %dma_start3A_173] : memref<320000x16xf32, #tpu.memory_space<hbm>> -> memref<80x16xf32, #tpu.memory_space<hbm>>
          %dma_start3A_175 = arith.constant 0 : i32
          %dma_start3A_176 = arith.constant 0 : i32
          %dma_start3A_177 = tpu.memref_slice %arg16[%dma_start3A_168, %dma_start3A_175, %dma_start3A_176] : memref<2x80x16xf32, #tpu.memory_space<vmem>> -> memref<1x80x16xf32, #tpu.memory_space<vmem>>
          %dma_start3A_178 = tpu.memref_squeeze %dma_start3A_177 : memref<1x80x16xf32, #tpu.memory_space<vmem>> -> memref<80x16xf32, #tpu.memory_space<vmem>>
          %dma_start3A_179 = arith.constant 0 : i32
          %dma_start3A_180 = tpu.memref_slice %arg3[%add3A_167, %dma_start3A_179] : memref<320000x16xf32, #tpu.memory_space<hbm>> -> memref<80x16xf32, #tpu.memory_space<hbm>>
          tpu.enqueue_dma source(%dma_start3A_180 : memref<80x16xf32, #tpu.memory_space<hbm>>) target(%dma_start3A_178 : memref<80x16xf32, #tpu.memory_space<vmem>>) target_semaphore(%arg22 : memref<!tpu.dma_semaphore, #tpu.memory_space<semaphore_mem>>)
        } else {
        }
      } else {
      }
    }
    %scan3A_63 = arith.constant 63 : i32
    %barrier3A_64 = arith.constant 0 : index
    tpu.barrier barrier_id(%barrier3A_64)
    "tpu.region"() ({
      %run_scoped3A = tpu.sem_alloc : memref<!tpu.dma_semaphore, #tpu.memory_space<semaphore_mem>>
      %dma_start3A_96 = arith.constant 0 : i32
      %dma_start3A_97 = arith.constant 0 : i32
      %dma_start3A_98 = tpu.memref_slice %arg9[%arg0, %dma_start3A_96, %dma_start3A_97] : memref<2x10240x64xf32, #tpu.memory_space<hbm>> -> memref<1x10240x64xf32, #tpu.memory_space<hbm>>
      %dma_start3A_99 = tpu.memref_squeeze %dma_start3A_98 : memref<1x10240x64xf32, #tpu.memory_space<hbm>> -> memref<10240x64xf32, #tpu.memory_space<hbm>>
      %dma_start3A_100 = arith.constant 0 : i32
      %dma_start3A_101 = tpu.memref_slice %dma_start3A_99[%mul3A_2, %dma_start3A_100] : memref<10240x64xf32, #tpu.memory_space<hbm>> -> memref<640x64xf32, #tpu.memory_space<hbm>>
      %dma_start3A_102 = arith.constant 0 : i32
      %dma_start3A_103 = tpu.memref_slice %arg17[%mul3A_2, %dma_start3A_102] : memref<10240x64xf32, #tpu.memory_space<vmem_shared>> -> memref<640x64xf32, #tpu.memory_space<vmem_shared>>
      tpu.enqueue_dma source(%dma_start3A_103 : memref<640x64xf32, #tpu.memory_space<vmem_shared>>) target(%dma_start3A_101 : memref<640x64xf32, #tpu.memory_space<hbm>>) target_semaphore(%run_scoped3A : memref<!tpu.dma_semaphore, #tpu.memory_space<semaphore_mem>>)
      %dma_wait3A = arith.constant 0 : i32
      %dma_wait3A_104 = arith.constant 0 : i32
      %dma_wait3A_105 = tpu.memref_slice %arg9[%arg0, %dma_wait3A, %dma_wait3A_104] : memref<2x10240x64xf32, #tpu.memory_space<hbm>> -> memref<1x10240x64xf32, #tpu.memory_space<hbm>>
      %dma_wait3A_106 = tpu.memref_squeeze %dma_wait3A_105 : memref<1x10240x64xf32, #tpu.memory_space<hbm>> -> memref<10240x64xf32, #tpu.memory_space<hbm>>
      %dma_wait3A_107 = arith.constant 0 : i32
      %dma_wait3A_108 = tpu.memref_slice %dma_wait3A_106[%mul3A_2, %dma_wait3A_107] : memref<10240x64xf32, #tpu.memory_space<hbm>> -> memref<640x64xf32, #tpu.memory_space<hbm>>
      %dma_wait3A_109 = arith.constant 0 : i32
      %dma_wait3A_110 = tpu.memref_slice %arg17[%mul3A_2, %dma_wait3A_109] : memref<10240x64xf32, #tpu.memory_space<vmem_shared>> -> memref<640x64xf32, #tpu.memory_space<vmem_shared>>
      tpu.wait_dma2 semaphore(%run_scoped3A : memref<!tpu.dma_semaphore, #tpu.memory_space<semaphore_mem>>) src(%dma_wait3A_110 : memref<640x64xf32, #tpu.memory_space<vmem_shared>>) dst(%dma_wait3A_108 : memref<640x64xf32, #tpu.memory_space<hbm>>)
      tpu.yield
    }) : () -> ()
    "tpu.region"() ({
      %run_scoped3A = tpu.sem_alloc : memref<!tpu.dma_semaphore, #tpu.memory_space<semaphore_mem>>
      %dma_start3A_96 = arith.constant 0 : i32
      %dma_start3A_97 = arith.constant 0 : i32
      %dma_start3A_98 = tpu.memref_slice %arg11[%arg0, %dma_start3A_96, %dma_start3A_97] : memref<2x10240x16xf32, #tpu.memory_space<hbm>> -> memref<1x10240x16xf32, #tpu.memory_space<hbm>>
      %dma_start3A_99 = tpu.memref_squeeze %dma_start3A_98 : memref<1x10240x16xf32, #tpu.memory_space<hbm>> -> memref<10240x16xf32, #tpu.memory_space<hbm>>
      %dma_start3A_100 = arith.constant 0 : i32
      %dma_start3A_101 = tpu.memref_slice %dma_start3A_99[%mul3A_2, %dma_start3A_100] : memref<10240x16xf32, #tpu.memory_space<hbm>> -> memref<640x16xf32, #tpu.memory_space<hbm>>
      %dma_start3A_102 = arith.constant 0 : i32
      %dma_start3A_103 = tpu.memref_slice %arg18[%mul3A_2, %dma_start3A_102] : memref<10240x16xf32, #tpu.memory_space<vmem_shared>> -> memref<640x16xf32, #tpu.memory_space<vmem_shared>>
      tpu.enqueue_dma source(%dma_start3A_103 : memref<640x16xf32, #tpu.memory_space<vmem_shared>>) target(%dma_start3A_101 : memref<640x16xf32, #tpu.memory_space<hbm>>) target_semaphore(%run_scoped3A : memref<!tpu.dma_semaphore, #tpu.memory_space<semaphore_mem>>)
      %dma_wait3A = arith.constant 0 : i32
      %dma_wait3A_104 = arith.constant 0 : i32
      %dma_wait3A_105 = tpu.memref_slice %arg11[%arg0, %dma_wait3A, %dma_wait3A_104] : memref<2x10240x16xf32, #tpu.memory_space<hbm>> -> memref<1x10240x16xf32, #tpu.memory_space<hbm>>
      %dma_wait3A_106 = tpu.memref_squeeze %dma_wait3A_105 : memref<1x10240x16xf32, #tpu.memory_space<hbm>> -> memref<10240x16xf32, #tpu.memory_space<hbm>>
      %dma_wait3A_107 = arith.constant 0 : i32
      %dma_wait3A_108 = tpu.memref_slice %dma_wait3A_106[%mul3A_2, %dma_wait3A_107] : memref<10240x16xf32, #tpu.memory_space<hbm>> -> memref<640x16xf32, #tpu.memory_space<hbm>>
      %dma_wait3A_109 = arith.constant 0 : i32
      %dma_wait3A_110 = tpu.memref_slice %arg18[%mul3A_2, %dma_wait3A_109] : memref<10240x16xf32, #tpu.memory_space<vmem_shared>> -> memref<640x16xf32, #tpu.memory_space<vmem_shared>>
      tpu.wait_dma2 semaphore(%run_scoped3A : memref<!tpu.dma_semaphore, #tpu.memory_space<semaphore_mem>>) src(%dma_wait3A_110 : memref<640x16xf32, #tpu.memory_space<vmem_shared>>) dst(%dma_wait3A_108 : memref<640x16xf32, #tpu.memory_space<hbm>>)
      tpu.yield
    }) : () -> ()
    "tpu.region"() ({
      %run_scoped3A = tpu.sem_alloc : memref<!tpu.dma_semaphore, #tpu.memory_space<semaphore_mem>>
      %dma_start3A_96 = arith.constant 0 : i32
      %dma_start3A_97 = tpu.memref_slice %arg17[%mul3A_2, %dma_start3A_96] : memref<10240x64xf32, #tpu.memory_space<vmem_shared>> -> memref<640x64xf32, #tpu.memory_space<vmem_shared>>
      tpu.enqueue_dma source(%arg7 : memref<640x64xf32, #tpu.memory_space<hbm>>) target(%dma_start3A_97 : memref<640x64xf32, #tpu.memory_space<vmem_shared>>) target_semaphore(%run_scoped3A : memref<!tpu.dma_semaphore, #tpu.memory_space<semaphore_mem>>)
      %dma_wait3A = arith.constant 0 : i32
      %dma_wait3A_98 = tpu.memref_slice %arg17[%mul3A_2, %dma_wait3A] : memref<10240x64xf32, #tpu.memory_space<vmem_shared>> -> memref<640x64xf32, #tpu.memory_space<vmem_shared>>
      tpu.wait_dma2 semaphore(%run_scoped3A : memref<!tpu.dma_semaphore, #tpu.memory_space<semaphore_mem>>) src(%arg7 : memref<640x64xf32, #tpu.memory_space<hbm>>) dst(%dma_wait3A_98 : memref<640x64xf32, #tpu.memory_space<vmem_shared>>)
      tpu.yield
    }) : () -> ()
    %barrier3A_65 = arith.constant 0 : index
    tpu.barrier barrier_id(%barrier3A_65)
    %dma_start3A_66 = arith.constant 0 : i32
    %dma_start3A_67 = arith.constant 0 : i32
    %dma_start3A_68 = arith.constant 0 : i32
    %dma_start3A_69 = arith.constant 0 : i32
    %dma_start3A_70 = tpu.memref_slice %arg15[%dma_start3A_67, %dma_start3A_68, %dma_start3A_69] : memref<2x80x64xf32, #tpu.memory_space<vmem>> -> memref<1x80x64xf32, #tpu.memory_space<vmem>>
    %dma_start3A_71 = tpu.memref_squeeze %dma_start3A_70 : memref<1x80x64xf32, #tpu.memory_space<vmem>> -> memref<80x64xf32, #tpu.memory_space<vmem>>
    %dma_start3A_72 = arith.constant 0 : i32
    %dma_start3A_73 = tpu.memref_slice %arg13[%dma_start3A_66, %dma_start3A_72] : memref<125x80xi32, #tpu.memory_space<vmem>> -> memref<1x80xi32, #tpu.memory_space<vmem>>
    %dma_start3A_74 = tpu.memref_squeeze %dma_start3A_73 : memref<1x80xi32, #tpu.memory_space<vmem>> -> memref<80xi32, #tpu.memory_space<vmem>>
    %dma_start3A_75 = arith.constant 0 : i32
    %dma_start3A_76 = arith.constant 0 : i32
    %dma_start3A_77 = tpu.memref_slice %arg2[%dma_start3A_75, %dma_start3A_76] : memref<20000x64xf32, #tpu.memory_space<hbm>> -> memref<20000x64xf32, #tpu.memory_space<hbm>>
    tpu.enqueue_indirect_dma source(%dma_start3A_77 : memref<20000x64xf32, #tpu.memory_space<hbm>>) target(%dma_start3A_71 : memref<80x64xf32, #tpu.memory_space<vmem>>) offsets(%dma_start3A_74 : memref<80xi32, #tpu.memory_space<vmem>>) semaphore(%arg19 : memref<!tpu.dma_semaphore, #tpu.memory_space<semaphore_mem>>)
    %dma_start3A_78 = arith.constant 1 : i32
    %dma_start3A_79 = arith.constant 1 : i32
    %dma_start3A_80 = arith.constant 0 : i32
    %dma_start3A_81 = arith.constant 0 : i32
    %dma_start3A_82 = tpu.memref_slice %arg15[%dma_start3A_79, %dma_start3A_80, %dma_start3A_81] : memref<2x80x64xf32, #tpu.memory_space<vmem>> -> memref<1x80x64xf32, #tpu.memory_space<vmem>>
    %dma_start3A_83 = tpu.memref_squeeze %dma_start3A_82 : memref<1x80x64xf32, #tpu.memory_space<vmem>> -> memref<80x64xf32, #tpu.memory_space<vmem>>
    %dma_start3A_84 = arith.constant 0 : i32
    %dma_start3A_85 = tpu.memref_slice %arg13[%dma_start3A_78, %dma_start3A_84] : memref<125x80xi32, #tpu.memory_space<vmem>> -> memref<1x80xi32, #tpu.memory_space<vmem>>
    %dma_start3A_86 = tpu.memref_squeeze %dma_start3A_85 : memref<1x80xi32, #tpu.memory_space<vmem>> -> memref<80xi32, #tpu.memory_space<vmem>>
    %dma_start3A_87 = arith.constant 0 : i32
    %dma_start3A_88 = arith.constant 0 : i32
    %dma_start3A_89 = tpu.memref_slice %arg2[%dma_start3A_87, %dma_start3A_88] : memref<20000x64xf32, #tpu.memory_space<hbm>> -> memref<20000x64xf32, #tpu.memory_space<hbm>>
    tpu.enqueue_indirect_dma source(%dma_start3A_89 : memref<20000x64xf32, #tpu.memory_space<hbm>>) target(%dma_start3A_83 : memref<80x64xf32, #tpu.memory_space<vmem>>) offsets(%dma_start3A_86 : memref<80xi32, #tpu.memory_space<vmem>>) semaphore(%arg20 : memref<!tpu.dma_semaphore, #tpu.memory_space<semaphore_mem>>)
    %scan3A_90 = arith.constant 0 : i32
    %scan3A_91 = arith.constant 63 : i32
    %scan3A_92 = arith.addi %scan3A_90, %scan3A_91 : i32
    %scan3A_93 = arith.constant 1 : i32
    scf.for %scan3A_96 = %scan3A_90 to %scan3A_92 step %scan3A_93  : i32 {
      %mul3A_97 = arith.constant 2 : i32
      %mul3A_98 = arith.muli %scan3A_96, %mul3A_97 : i32
      %add3A_99 = arith.constant 0 : i32
      %add3A_100 = arith.addi %add3A_99, %mul3A_98 : i32
      %add3A_101 = arith.constant 0 : i32
      %add3A_102 = arith.addi %add3A_100, %add3A_101 : i32
      %lt3A = arith.constant 125 : i32
      %lt3A_103 = arith.cmpi slt, %add3A_102, %lt3A : i32
      %convert_element_type3A = arith.extui %lt3A_103 : i1 to i32
      %cond3A = arith.constant 0 : i32
      %cond3A_104 = arith.cmpi ne, %convert_element_type3A, %cond3A : i32
      scf.if %cond3A_104 {
        %dma_wait3A = arith.constant 0 : i32
        %dma_wait3A_112 = arith.constant 0 : i32
        %dma_wait3A_113 = arith.constant 0 : i32
        %dma_wait3A_114 = tpu.memref_slice %arg15[%dma_wait3A, %dma_wait3A_112, %dma_wait3A_113] : memref<2x80x64xf32, #tpu.memory_space<vmem>> -> memref<1x80x64xf32, #tpu.memory_space<vmem>>
        %dma_wait3A_115 = tpu.memref_squeeze %dma_wait3A_114 : memref<1x80x64xf32, #tpu.memory_space<vmem>> -> memref<80x64xf32, #tpu.memory_space<vmem>>
        %dma_wait3A_116 = arith.constant 0 : i32
        %dma_wait3A_117 = tpu.memref_slice %arg13[%add3A_102, %dma_wait3A_116] : memref<125x80xi32, #tpu.memory_space<vmem>> -> memref<1x80xi32, #tpu.memory_space<vmem>>
        %dma_wait3A_118 = tpu.memref_squeeze %dma_wait3A_117 : memref<1x80xi32, #tpu.memory_space<vmem>> -> memref<80xi32, #tpu.memory_space<vmem>>
        %dma_wait3A_119 = arith.constant 0 : i32
        %dma_wait3A_120 = arith.constant 0 : i32
        %dma_wait3A_121 = tpu.memref_slice %arg2[%dma_wait3A_119, %dma_wait3A_120] : memref<20000x64xf32, #tpu.memory_space<hbm>> -> memref<20000x64xf32, #tpu.memory_space<hbm>>
        tpu.wait_indirect_dma semaphore(%arg19 : memref<!tpu.dma_semaphore, #tpu.memory_space<semaphore_mem>>) src(%dma_wait3A_121 : memref<20000x64xf32, #tpu.memory_space<hbm>>) dst(%dma_wait3A_115 : memref<80x64xf32, #tpu.memory_space<vmem>>)
        %run_scoped3A = arith.constant 0 : i32
        "tpu.region"() ({
          %run_scoped3A_129 = tpu.sem_alloc : memref<!tpu.dma_semaphore, #tpu.memory_space<semaphore_mem>>
          %dma_start3A_130 = arith.constant 0 : i32
          %dma_start3A_131 = arith.constant 0 : i32
          %dma_start3A_132 = tpu.memref_slice %arg15[%run_scoped3A, %dma_start3A_130, %dma_start3A_131] : memref<2x80x64xf32, #tpu.memory_space<vmem>> -> memref<1x80x64xf32, #tpu.memory_space<vmem>>
          %dma_start3A_133 = tpu.memref_squeeze %dma_start3A_132 : memref<1x80x64xf32, #tpu.memory_space<vmem>> -> memref<80x64xf32, #tpu.memory_space<vmem>>
          %dma_start3A_134 = arith.constant 0 : i32
          %dma_start3A_135 = tpu.memref_slice %arg14[%add3A_102, %dma_start3A_134] : memref<125x80xi32, #tpu.memory_space<vmem>> -> memref<1x80xi32, #tpu.memory_space<vmem>>
          %dma_start3A_136 = tpu.memref_squeeze %dma_start3A_135 : memref<1x80xi32, #tpu.memory_space<vmem>> -> memref<80xi32, #tpu.memory_space<vmem>>
          %dma_start3A_137 = arith.constant 0 : i32
          %dma_start3A_138 = arith.constant 0 : i32
          %dma_start3A_139 = tpu.memref_slice %arg17[%dma_start3A_137, %dma_start3A_138] : memref<10240x64xf32, #tpu.memory_space<vmem_shared>> -> memref<10240x64xf32, #tpu.memory_space<vmem_shared>>
          tpu.enqueue_indirect_dma source(%dma_start3A_133 : memref<80x64xf32, #tpu.memory_space<vmem>>) target(%dma_start3A_139 : memref<10240x64xf32, #tpu.memory_space<vmem_shared>>) offsets(%dma_start3A_136 : memref<80xi32, #tpu.memory_space<vmem>>) semaphore(%run_scoped3A_129 : memref<!tpu.dma_semaphore, #tpu.memory_space<semaphore_mem>>) {add = true}
          %dma_wait3A_140 = arith.constant 0 : i32
          %dma_wait3A_141 = arith.constant 0 : i32
          %dma_wait3A_142 = tpu.memref_slice %arg15[%run_scoped3A, %dma_wait3A_140, %dma_wait3A_141] : memref<2x80x64xf32, #tpu.memory_space<vmem>> -> memref<1x80x64xf32, #tpu.memory_space<vmem>>
          %dma_wait3A_143 = tpu.memref_squeeze %dma_wait3A_142 : memref<1x80x64xf32, #tpu.memory_space<vmem>> -> memref<80x64xf32, #tpu.memory_space<vmem>>
          %dma_wait3A_144 = arith.constant 0 : i32
          %dma_wait3A_145 = tpu.memref_slice %arg14[%add3A_102, %dma_wait3A_144] : memref<125x80xi32, #tpu.memory_space<vmem>> -> memref<1x80xi32, #tpu.memory_space<vmem>>
          %dma_wait3A_146 = tpu.memref_squeeze %dma_wait3A_145 : memref<1x80xi32, #tpu.memory_space<vmem>> -> memref<80xi32, #tpu.memory_space<vmem>>
          %dma_wait3A_147 = arith.constant 0 : i32
          %dma_wait3A_148 = arith.constant 0 : i32
          %dma_wait3A_149 = tpu.memref_slice %arg17[%dma_wait3A_147, %dma_wait3A_148] : memref<10240x64xf32, #tpu.memory_space<vmem_shared>> -> memref<10240x64xf32, #tpu.memory_space<vmem_shared>>
          tpu.wait_indirect_dma semaphore(%run_scoped3A_129 : memref<!tpu.dma_semaphore, #tpu.memory_space<semaphore_mem>>) src(%dma_wait3A_143 : memref<80x64xf32, #tpu.memory_space<vmem>>) dst(%dma_wait3A_149 : memref<10240x64xf32, #tpu.memory_space<vmem_shared>>)
          tpu.yield
        }) : () -> ()
        %add3A_122 = arith.constant 2 : i32
        %add3A_123 = arith.addi %add3A_102, %add3A_122 : i32
        %lt3A_124 = arith.constant 125 : i32
        %lt3A_125 = arith.cmpi slt, %add3A_123, %lt3A_124 : i32
        %convert_element_type3A_126 = arith.extui %lt3A_125 : i1 to i32
        %cond3A_127 = arith.constant 0 : i32
        %cond3A_128 = arith.cmpi ne, %convert_element_type3A_126, %cond3A_127 : i32
        scf.if %cond3A_128 {
          %add3A_129 = arith.constant 2 : i32
          %add3A_130 = arith.addi %add3A_102, %add3A_129 : i32
          %dma_start3A_131 = arith.constant 0 : i32
          %dma_start3A_132 = arith.constant 0 : i32
          %dma_start3A_133 = arith.constant 0 : i32
          %dma_start3A_134 = tpu.memref_slice %arg15[%dma_start3A_131, %dma_start3A_132, %dma_start3A_133] : memref<2x80x64xf32, #tpu.memory_space<vmem>> -> memref<1x80x64xf32, #tpu.memory_space<vmem>>
          %dma_start3A_135 = tpu.memref_squeeze %dma_start3A_134 : memref<1x80x64xf32, #tpu.memory_space<vmem>> -> memref<80x64xf32, #tpu.memory_space<vmem>>
          %dma_start3A_136 = arith.constant 0 : i32
          %dma_start3A_137 = tpu.memref_slice %arg13[%add3A_130, %dma_start3A_136] : memref<125x80xi32, #tpu.memory_space<vmem>> -> memref<1x80xi32, #tpu.memory_space<vmem>>
          %dma_start3A_138 = tpu.memref_squeeze %dma_start3A_137 : memref<1x80xi32, #tpu.memory_space<vmem>> -> memref<80xi32, #tpu.memory_space<vmem>>
          %dma_start3A_139 = arith.constant 0 : i32
          %dma_start3A_140 = arith.constant 0 : i32
          %dma_start3A_141 = tpu.memref_slice %arg2[%dma_start3A_139, %dma_start3A_140] : memref<20000x64xf32, #tpu.memory_space<hbm>> -> memref<20000x64xf32, #tpu.memory_space<hbm>>
          tpu.enqueue_indirect_dma source(%dma_start3A_141 : memref<20000x64xf32, #tpu.memory_space<hbm>>) target(%dma_start3A_135 : memref<80x64xf32, #tpu.memory_space<vmem>>) offsets(%dma_start3A_138 : memref<80xi32, #tpu.memory_space<vmem>>) semaphore(%arg19 : memref<!tpu.dma_semaphore, #tpu.memory_space<semaphore_mem>>)
        } else {
        }
      } else {
      }
      %add3A_105 = arith.constant 1 : i32
      %add3A_106 = arith.addi %add3A_100, %add3A_105 : i32
      %lt3A_107 = arith.constant 125 : i32
      %lt3A_108 = arith.cmpi slt, %add3A_106, %lt3A_107 : i32
      %convert_element_type3A_109 = arith.extui %lt3A_108 : i1 to i32
      %cond3A_110 = arith.constant 0 : i32
      %cond3A_111 = arith.cmpi ne, %convert_element_type3A_109, %cond3A_110 : i32
      scf.if %cond3A_111 {
        %dma_wait3A = arith.constant 1 : i32
        %dma_wait3A_112 = arith.constant 0 : i32
        %dma_wait3A_113 = arith.constant 0 : i32
        %dma_wait3A_114 = tpu.memref_slice %arg15[%dma_wait3A, %dma_wait3A_112, %dma_wait3A_113] : memref<2x80x64xf32, #tpu.memory_space<vmem>> -> memref<1x80x64xf32, #tpu.memory_space<vmem>>
        %dma_wait3A_115 = tpu.memref_squeeze %dma_wait3A_114 : memref<1x80x64xf32, #tpu.memory_space<vmem>> -> memref<80x64xf32, #tpu.memory_space<vmem>>
        %dma_wait3A_116 = arith.constant 0 : i32
        %dma_wait3A_117 = tpu.memref_slice %arg13[%add3A_106, %dma_wait3A_116] : memref<125x80xi32, #tpu.memory_space<vmem>> -> memref<1x80xi32, #tpu.memory_space<vmem>>
        %dma_wait3A_118 = tpu.memref_squeeze %dma_wait3A_117 : memref<1x80xi32, #tpu.memory_space<vmem>> -> memref<80xi32, #tpu.memory_space<vmem>>
        %dma_wait3A_119 = arith.constant 0 : i32
        %dma_wait3A_120 = arith.constant 0 : i32
        %dma_wait3A_121 = tpu.memref_slice %arg2[%dma_wait3A_119, %dma_wait3A_120] : memref<20000x64xf32, #tpu.memory_space<hbm>> -> memref<20000x64xf32, #tpu.memory_space<hbm>>
        tpu.wait_indirect_dma semaphore(%arg20 : memref<!tpu.dma_semaphore, #tpu.memory_space<semaphore_mem>>) src(%dma_wait3A_121 : memref<20000x64xf32, #tpu.memory_space<hbm>>) dst(%dma_wait3A_115 : memref<80x64xf32, #tpu.memory_space<vmem>>)
        %run_scoped3A = arith.constant 1 : i32
        "tpu.region"() ({
          %run_scoped3A_129 = tpu.sem_alloc : memref<!tpu.dma_semaphore, #tpu.memory_space<semaphore_mem>>
          %dma_start3A_130 = arith.constant 0 : i32
          %dma_start3A_131 = arith.constant 0 : i32
          %dma_start3A_132 = tpu.memref_slice %arg15[%run_scoped3A, %dma_start3A_130, %dma_start3A_131] : memref<2x80x64xf32, #tpu.memory_space<vmem>> -> memref<1x80x64xf32, #tpu.memory_space<vmem>>
          %dma_start3A_133 = tpu.memref_squeeze %dma_start3A_132 : memref<1x80x64xf32, #tpu.memory_space<vmem>> -> memref<80x64xf32, #tpu.memory_space<vmem>>
          %dma_start3A_134 = arith.constant 0 : i32
          %dma_start3A_135 = tpu.memref_slice %arg14[%add3A_106, %dma_start3A_134] : memref<125x80xi32, #tpu.memory_space<vmem>> -> memref<1x80xi32, #tpu.memory_space<vmem>>
          %dma_start3A_136 = tpu.memref_squeeze %dma_start3A_135 : memref<1x80xi32, #tpu.memory_space<vmem>> -> memref<80xi32, #tpu.memory_space<vmem>>
          %dma_start3A_137 = arith.constant 0 : i32
          %dma_start3A_138 = arith.constant 0 : i32
          %dma_start3A_139 = tpu.memref_slice %arg17[%dma_start3A_137, %dma_start3A_138] : memref<10240x64xf32, #tpu.memory_space<vmem_shared>> -> memref<10240x64xf32, #tpu.memory_space<vmem_shared>>
          tpu.enqueue_indirect_dma source(%dma_start3A_133 : memref<80x64xf32, #tpu.memory_space<vmem>>) target(%dma_start3A_139 : memref<10240x64xf32, #tpu.memory_space<vmem_shared>>) offsets(%dma_start3A_136 : memref<80xi32, #tpu.memory_space<vmem>>) semaphore(%run_scoped3A_129 : memref<!tpu.dma_semaphore, #tpu.memory_space<semaphore_mem>>) {add = true}
          %dma_wait3A_140 = arith.constant 0 : i32
          %dma_wait3A_141 = arith.constant 0 : i32
          %dma_wait3A_142 = tpu.memref_slice %arg15[%run_scoped3A, %dma_wait3A_140, %dma_wait3A_141] : memref<2x80x64xf32, #tpu.memory_space<vmem>> -> memref<1x80x64xf32, #tpu.memory_space<vmem>>
          %dma_wait3A_143 = tpu.memref_squeeze %dma_wait3A_142 : memref<1x80x64xf32, #tpu.memory_space<vmem>> -> memref<80x64xf32, #tpu.memory_space<vmem>>
          %dma_wait3A_144 = arith.constant 0 : i32
          %dma_wait3A_145 = tpu.memref_slice %arg14[%add3A_106, %dma_wait3A_144] : memref<125x80xi32, #tpu.memory_space<vmem>> -> memref<1x80xi32, #tpu.memory_space<vmem>>
          %dma_wait3A_146 = tpu.memref_squeeze %dma_wait3A_145 : memref<1x80xi32, #tpu.memory_space<vmem>> -> memref<80xi32, #tpu.memory_space<vmem>>
          %dma_wait3A_147 = arith.constant 0 : i32
          %dma_wait3A_148 = arith.constant 0 : i32
          %dma_wait3A_149 = tpu.memref_slice %arg17[%dma_wait3A_147, %dma_wait3A_148] : memref<10240x64xf32, #tpu.memory_space<vmem_shared>> -> memref<10240x64xf32, #tpu.memory_space<vmem_shared>>
          tpu.wait_indirect_dma semaphore(%run_scoped3A_129 : memref<!tpu.dma_semaphore, #tpu.memory_space<semaphore_mem>>) src(%dma_wait3A_143 : memref<80x64xf32, #tpu.memory_space<vmem>>) dst(%dma_wait3A_149 : memref<10240x64xf32, #tpu.memory_space<vmem_shared>>)
          tpu.yield
        }) : () -> ()
        %add3A_122 = arith.constant 2 : i32
        %add3A_123 = arith.addi %add3A_106, %add3A_122 : i32
        %lt3A_124 = arith.constant 125 : i32
        %lt3A_125 = arith.cmpi slt, %add3A_123, %lt3A_124 : i32
        %convert_element_type3A_126 = arith.extui %lt3A_125 : i1 to i32
        %cond3A_127 = arith.constant 0 : i32
        %cond3A_128 = arith.cmpi ne, %convert_element_type3A_126, %cond3A_127 : i32
        scf.if %cond3A_128 {
          %add3A_129 = arith.constant 2 : i32
          %add3A_130 = arith.addi %add3A_106, %add3A_129 : i32
          %dma_start3A_131 = arith.constant 1 : i32
          %dma_start3A_132 = arith.constant 0 : i32
          %dma_start3A_133 = arith.constant 0 : i32
          %dma_start3A_134 = tpu.memref_slice %arg15[%dma_start3A_131, %dma_start3A_132, %dma_start3A_133] : memref<2x80x64xf32, #tpu.memory_space<vmem>> -> memref<1x80x64xf32, #tpu.memory_space<vmem>>
          %dma_start3A_135 = tpu.memref_squeeze %dma_start3A_134 : memref<1x80x64xf32, #tpu.memory_space<vmem>> -> memref<80x64xf32, #tpu.memory_space<vmem>>
          %dma_start3A_136 = arith.constant 0 : i32
          %dma_start3A_137 = tpu.memref_slice %arg13[%add3A_130, %dma_start3A_136] : memref<125x80xi32, #tpu.memory_space<vmem>> -> memref<1x80xi32, #tpu.memory_space<vmem>>
          %dma_start3A_138 = tpu.memref_squeeze %dma_start3A_137 : memref<1x80xi32, #tpu.memory_space<vmem>> -> memref<80xi32, #tpu.memory_space<vmem>>
          %dma_start3A_139 = arith.constant 0 : i32
          %dma_start3A_140 = arith.constant 0 : i32
          %dma_start3A_141 = tpu.memref_slice %arg2[%dma_start3A_139, %dma_start3A_140] : memref<20000x64xf32, #tpu.memory_space<hbm>> -> memref<20000x64xf32, #tpu.memory_space<hbm>>
          tpu.enqueue_indirect_dma source(%dma_start3A_141 : memref<20000x64xf32, #tpu.memory_space<hbm>>) target(%dma_start3A_135 : memref<80x64xf32, #tpu.memory_space<vmem>>) offsets(%dma_start3A_138 : memref<80xi32, #tpu.memory_space<vmem>>) semaphore(%arg20 : memref<!tpu.dma_semaphore, #tpu.memory_space<semaphore_mem>>)
        } else {
        }
      } else {
      }
    }
    %scan3A_94 = arith.constant 63 : i32
    %barrier3A_95 = arith.constant 0 : index
    tpu.barrier barrier_id(%barrier3A_95)
    "tpu.region"() ({
      %run_scoped3A = tpu.sem_alloc : memref<!tpu.dma_semaphore, #tpu.memory_space<semaphore_mem>>
      %dma_start3A_96 = arith.constant 0 : i32
      %dma_start3A_97 = arith.constant 0 : i32
      %dma_start3A_98 = tpu.memref_slice %arg10[%arg0, %dma_start3A_96, %dma_start3A_97] : memref<2x10240x64xf32, #tpu.memory_space<hbm>> -> memref<1x10240x64xf32, #tpu.memory_space<hbm>>
      %dma_start3A_99 = tpu.memref_squeeze %dma_start3A_98 : memref<1x10240x64xf32, #tpu.memory_space<hbm>> -> memref<10240x64xf32, #tpu.memory_space<hbm>>
      %dma_start3A_100 = arith.constant 0 : i32
      %dma_start3A_101 = tpu.memref_slice %dma_start3A_99[%mul3A_2, %dma_start3A_100] : memref<10240x64xf32, #tpu.memory_space<hbm>> -> memref<640x64xf32, #tpu.memory_space<hbm>>
      %dma_start3A_102 = arith.constant 0 : i32
      %dma_start3A_103 = tpu.memref_slice %arg17[%mul3A_2, %dma_start3A_102] : memref<10240x64xf32, #tpu.memory_space<vmem_shared>> -> memref<640x64xf32, #tpu.memory_space<vmem_shared>>
      tpu.enqueue_dma source(%dma_start3A_103 : memref<640x64xf32, #tpu.memory_space<vmem_shared>>) target(%dma_start3A_101 : memref<640x64xf32, #tpu.memory_space<hbm>>) target_semaphore(%run_scoped3A : memref<!tpu.dma_semaphore, #tpu.memory_space<semaphore_mem>>)
      %dma_wait3A = arith.constant 0 : i32
      %dma_wait3A_104 = arith.constant 0 : i32
      %dma_wait3A_105 = tpu.memref_slice %arg10[%arg0, %dma_wait3A, %dma_wait3A_104] : memref<2x10240x64xf32, #tpu.memory_space<hbm>> -> memref<1x10240x64xf32, #tpu.memory_space<hbm>>
      %dma_wait3A_106 = tpu.memref_squeeze %dma_wait3A_105 : memref<1x10240x64xf32, #tpu.memory_space<hbm>> -> memref<10240x64xf32, #tpu.memory_space<hbm>>
      %dma_wait3A_107 = arith.constant 0 : i32
      %dma_wait3A_108 = tpu.memref_slice %dma_wait3A_106[%mul3A_2, %dma_wait3A_107] : memref<10240x64xf32, #tpu.memory_space<hbm>> -> memref<640x64xf32, #tpu.memory_space<hbm>>
      %dma_wait3A_109 = arith.constant 0 : i32
      %dma_wait3A_110 = tpu.memref_slice %arg17[%mul3A_2, %dma_wait3A_109] : memref<10240x64xf32, #tpu.memory_space<vmem_shared>> -> memref<640x64xf32, #tpu.memory_space<vmem_shared>>
      tpu.wait_dma2 semaphore(%run_scoped3A : memref<!tpu.dma_semaphore, #tpu.memory_space<semaphore_mem>>) src(%dma_wait3A_110 : memref<640x64xf32, #tpu.memory_space<vmem_shared>>) dst(%dma_wait3A_108 : memref<640x64xf32, #tpu.memory_space<hbm>>)
      tpu.yield
    }) : () -> ()
    return
  }
}

module attributes {stable_mosaic.version = 14 : i64} {
  func.func @_tc_body(%arg0: i32, %arg1: memref<1000x128xf32, #tpu.memory_space<vmem>>, %arg2: memref<1x1000x64xf32, #tpu.memory_space<vmem>>, %arg3: memref<1x1000x64xf32, #tpu.memory_space<vmem>>, %arg4: memref<1x1000x64xf32, #tpu.memory_space<vmem>>, %arg5: memref<1x1000x64xf32, #tpu.memory_space<vmem>>, %arg6: memref<1x1000x16xf32, #tpu.memory_space<vmem>>, %arg7: memref<1x1000x16xf32, #tpu.memory_space<vmem>>, %arg8: memref<64x128xf32, #tpu.memory_space<vmem>>, %arg9: memref<64x128xf32, #tpu.memory_space<vmem>>, %arg10: memref<16x128xf32, #tpu.memory_space<vmem>>, %arg11: memref<128x128xf32, #tpu.memory_space<vmem>>, %arg12: memref<128x128xf32, #tpu.memory_space<vmem>>, %arg13: memref<128x128xf32, #tpu.memory_space<vmem>>, %arg14: memref<128x128xf32, #tpu.memory_space<vmem>>, %arg15: memref<1x128xf32, #tpu.memory_space<vmem>>, %arg16: memref<1x128xf32, #tpu.memory_space<vmem>>, %arg17: memref<1x128xf32, #tpu.memory_space<vmem>>, %arg18: memref<1x128xf32, #tpu.memory_space<vmem>>, %arg19: memref<1000x128xf32, #tpu.memory_space<vmem>>) attributes {dimension_semantics = [#tpu.dimension_semantics<arbitrary>], iteration_bounds = array<i64: 10>, scalar_prefetch = 0 : i64, scratch_operands = 0 : i64, tpu.core_type = #tpu.core_type<tc>, window_params = [{transform_indices = @transform_0, window_bounds = array<i64: 1000, 128>}, {transform_indices = @transform_1, window_bounds = array<i64: 1, 1000, 64>}, {transform_indices = @transform_2, window_bounds = array<i64: 1, 1000, 64>}, {transform_indices = @transform_3, window_bounds = array<i64: 1, 1000, 64>}, {transform_indices = @transform_4, window_bounds = array<i64: 1, 1000, 64>}, {transform_indices = @transform_5, window_bounds = array<i64: 1, 1000, 16>}, {transform_indices = @transform_6, window_bounds = array<i64: 1, 1000, 16>}, {pipeline_mode = #tpu.pipeline_mode<synchronous>, transform_indices = @transform_7, window_bounds = array<i64: 64, 128>}, {pipeline_mode = #tpu.pipeline_mode<synchronous>, transform_indices = @transform_8, window_bounds = array<i64: 64, 128>}, {pipeline_mode = #tpu.pipeline_mode<synchronous>, transform_indices = @transform_9, window_bounds = array<i64: 16, 128>}, {pipeline_mode = #tpu.pipeline_mode<synchronous>, transform_indices = @transform_10, window_bounds = array<i64: 128, 128>}, {pipeline_mode = #tpu.pipeline_mode<synchronous>, transform_indices = @transform_11, window_bounds = array<i64: 128, 128>}, {pipeline_mode = #tpu.pipeline_mode<synchronous>, transform_indices = @transform_12, window_bounds = array<i64: 128, 128>}, {pipeline_mode = #tpu.pipeline_mode<synchronous>, transform_indices = @transform_13, window_bounds = array<i64: 128, 128>}, {pipeline_mode = #tpu.pipeline_mode<synchronous>, transform_indices = @transform_14, window_bounds = array<i64: 1, 128>}, {pipeline_mode = #tpu.pipeline_mode<synchronous>, transform_indices = @transform_15, window_bounds = array<i64: 1, 128>}, {pipeline_mode = #tpu.pipeline_mode<synchronous>, transform_indices = @transform_16, window_bounds = array<i64: 1, 128>}, {pipeline_mode = #tpu.pipeline_mode<synchronous>, transform_indices = @transform_17, window_bounds = array<i64: 1, 128>}, {transform_indices = @transform_18, window_bounds = array<i64: 1000, 128>}]} {
    %get3A = arith.constant 0 : index
    %get3A_0 = arith.constant 0 : index
    %get3A_1 = arith.constant 0 : index
    %get3A_2 = vector.load %arg2[%get3A, %get3A_0, %get3A_1] : memref<1x1000x64xf32, #tpu.memory_space<vmem>>, vector<1x1000x64xf32>
    %get3A_3 = vector.shape_cast %get3A_2 : vector<1x1000x64xf32> to vector<1000x64xf32>
    %get3A_4 = arith.constant 0 : index
    %get3A_5 = arith.constant 0 : index
    %get3A_6 = arith.constant 0 : index
    %get3A_7 = vector.load %arg3[%get3A_4, %get3A_5, %get3A_6] : memref<1x1000x64xf32, #tpu.memory_space<vmem>>, vector<1x1000x64xf32>
    %get3A_8 = vector.shape_cast %get3A_7 : vector<1x1000x64xf32> to vector<1000x64xf32>
    %add3A = arith.addf %get3A_3, %get3A_8 : vector<1000x64xf32>
    %get3A_9 = arith.constant 0 : index
    %get3A_10 = arith.constant 0 : index
    %get3A_11 = vector.load %arg8[%get3A_9, %get3A_10] : memref<64x128xf32, #tpu.memory_space<vmem>>, vector<64x128xf32>
    %dot_general3A = arith.constant dense<0.000000e+00> : vector<1000x128xf32>
    %dot_general3A_12 = tpu.matmul %add3A, %get3A_11, %dot_general3A {dimension_numbers = #tpu.dot_dimension_numbers<[1], [0], [0], [1], [0, 0, 1, 1], [], []>, transpose_lhs_hint = false} : vector<1000x64xf32>, vector<64x128xf32>, vector<1000x128xf32> -> vector<1000x128xf32>
    %get3A_13 = arith.constant 0 : index
    %get3A_14 = arith.constant 0 : index
    %get3A_15 = arith.constant 0 : index
    %get3A_16 = vector.load %arg4[%get3A_13, %get3A_14, %get3A_15] : memref<1x1000x64xf32, #tpu.memory_space<vmem>>, vector<1x1000x64xf32>
    %get3A_17 = vector.shape_cast %get3A_16 : vector<1x1000x64xf32> to vector<1000x64xf32>
    %get3A_18 = arith.constant 0 : index
    %get3A_19 = arith.constant 0 : index
    %get3A_20 = arith.constant 0 : index
    %get3A_21 = vector.load %arg5[%get3A_18, %get3A_19, %get3A_20] : memref<1x1000x64xf32, #tpu.memory_space<vmem>>, vector<1x1000x64xf32>
    %get3A_22 = vector.shape_cast %get3A_21 : vector<1x1000x64xf32> to vector<1000x64xf32>
    %add3A_23 = arith.addf %get3A_17, %get3A_22 : vector<1000x64xf32>
    %get3A_24 = arith.constant 0 : index
    %get3A_25 = arith.constant 0 : index
    %get3A_26 = vector.load %arg9[%get3A_24, %get3A_25] : memref<64x128xf32, #tpu.memory_space<vmem>>, vector<64x128xf32>
    %dot_general3A_27 = arith.constant dense<0.000000e+00> : vector<1000x128xf32>
    %dot_general3A_28 = tpu.matmul %add3A_23, %get3A_26, %dot_general3A_27 {dimension_numbers = #tpu.dot_dimension_numbers<[1], [0], [0], [1], [0, 0, 1, 1], [], []>, transpose_lhs_hint = false} : vector<1000x64xf32>, vector<64x128xf32>, vector<1000x128xf32> -> vector<1000x128xf32>
    %add3A_29 = arith.addf %dot_general3A_12, %dot_general3A_28 : vector<1000x128xf32>
    %get3A_30 = arith.constant 0 : index
    %get3A_31 = arith.constant 0 : index
    %get3A_32 = arith.constant 0 : index
    %get3A_33 = vector.load %arg6[%get3A_30, %get3A_31, %get3A_32] : memref<1x1000x16xf32, #tpu.memory_space<vmem>>, vector<1x1000x16xf32>
    %get3A_34 = vector.shape_cast %get3A_33 : vector<1x1000x16xf32> to vector<1000x16xf32>
    %get3A_35 = arith.constant 0 : index
    %get3A_36 = arith.constant 0 : index
    %get3A_37 = arith.constant 0 : index
    %get3A_38 = vector.load %arg7[%get3A_35, %get3A_36, %get3A_37] : memref<1x1000x16xf32, #tpu.memory_space<vmem>>, vector<1x1000x16xf32>
    %get3A_39 = vector.shape_cast %get3A_38 : vector<1x1000x16xf32> to vector<1000x16xf32>
    %add3A_40 = arith.addf %get3A_34, %get3A_39 : vector<1000x16xf32>
    %get3A_41 = arith.constant 0 : index
    %get3A_42 = arith.constant 0 : index
    %get3A_43 = vector.load %arg10[%get3A_41, %get3A_42] : memref<16x128xf32, #tpu.memory_space<vmem>>, vector<16x128xf32>
    %dot_general3A_44 = arith.constant dense<0.000000e+00> : vector<1000x128xf32>
    %dot_general3A_45 = tpu.matmul %add3A_40, %get3A_43, %dot_general3A_44 {dimension_numbers = #tpu.dot_dimension_numbers<[1], [0], [0], [1], [0, 0, 1, 1], [], []>, transpose_lhs_hint = false} : vector<1000x16xf32>, vector<16x128xf32>, vector<1000x128xf32> -> vector<1000x128xf32>
    %add3A_46 = arith.addf %add3A_29, %dot_general3A_45 : vector<1000x128xf32>
    %get3A_47 = arith.constant 0 : index
    %get3A_48 = arith.constant 0 : index
    %get3A_49 = vector.load %arg1[%get3A_47, %get3A_48] : memref<1000x128xf32, #tpu.memory_space<vmem>>, vector<1000x128xf32>
    %get3A_50 = arith.constant 0 : index
    %get3A_51 = arith.constant 0 : index
    %get3A_52 = vector.load %arg12[%get3A_50, %get3A_51] : memref<128x128xf32, #tpu.memory_space<vmem>>, vector<128x128xf32>
    %dot_general3A_53 = arith.constant dense<0.000000e+00> : vector<1000x128xf32>
    %dot_general3A_54 = tpu.matmul %get3A_49, %get3A_52, %dot_general3A_53 {dimension_numbers = #tpu.dot_dimension_numbers<[1], [0], [0], [1], [0, 0, 1, 1], [], []>, transpose_lhs_hint = false} : vector<1000x128xf32>, vector<128x128xf32>, vector<1000x128xf32> -> vector<1000x128xf32>
    %get3A_55 = arith.constant 0 : index
    %get3A_56 = arith.constant 0 : index
    %get3A_57 = vector.load %arg13[%get3A_55, %get3A_56] : memref<128x128xf32, #tpu.memory_space<vmem>>, vector<128x128xf32>
    %dot_general3A_58 = arith.constant dense<0.000000e+00> : vector<1000x128xf32>
    %dot_general3A_59 = tpu.matmul %add3A_46, %get3A_57, %dot_general3A_58 {dimension_numbers = #tpu.dot_dimension_numbers<[1], [0], [0], [1], [0, 0, 1, 1], [], []>, transpose_lhs_hint = false} : vector<1000x128xf32>, vector<128x128xf32>, vector<1000x128xf32> -> vector<1000x128xf32>
    %add3A_60 = arith.addf %dot_general3A_54, %dot_general3A_59 : vector<1000x128xf32>
    %get3A_61 = arith.constant 0 : index
    %get3A_62 = arith.constant 0 : index
    %get3A_63 = vector.load %arg15[%get3A_61, %get3A_62] : memref<1x128xf32, #tpu.memory_space<vmem>>, vector<1x128xf32>
    %add3A_64 = vector.broadcast %get3A_63 : vector<1x128xf32> to vector<1000x128xf32>
    %add3A_65 = arith.addf %add3A_60, %add3A_64 : vector<1000x128xf32>
    %max3A = arith.constant 0.000000e+00 : f32
    %max3A_66 = vector.broadcast %max3A : f32 to vector<1000x128xf32>
    %max3A_67 = arith.maximumf %add3A_65, %max3A_66 : vector<1000x128xf32>
    %get3A_68 = arith.constant 0 : index
    %get3A_69 = arith.constant 0 : index
    %get3A_70 = vector.load %arg14[%get3A_68, %get3A_69] : memref<128x128xf32, #tpu.memory_space<vmem>>, vector<128x128xf32>
    %dot_general3A_71 = arith.constant dense<0.000000e+00> : vector<1000x128xf32>
    %dot_general3A_72 = tpu.matmul %max3A_67, %get3A_70, %dot_general3A_71 {dimension_numbers = #tpu.dot_dimension_numbers<[1], [0], [0], [1], [0, 0, 1, 1], [], []>, transpose_lhs_hint = false} : vector<1000x128xf32>, vector<128x128xf32>, vector<1000x128xf32> -> vector<1000x128xf32>
    %get3A_73 = arith.constant 0 : index
    %get3A_74 = arith.constant 0 : index
    %get3A_75 = vector.load %arg16[%get3A_73, %get3A_74] : memref<1x128xf32, #tpu.memory_space<vmem>>, vector<1x128xf32>
    %add3A_76 = vector.broadcast %get3A_75 : vector<1x128xf32> to vector<1000x128xf32>
    %add3A_77 = arith.addf %dot_general3A_72, %add3A_76 : vector<1000x128xf32>
    %get3A_78 = arith.constant 0 : index
    %get3A_79 = arith.constant 0 : index
    %get3A_80 = vector.load %arg11[%get3A_78, %get3A_79] : memref<128x128xf32, #tpu.memory_space<vmem>>, vector<128x128xf32>
    %dot_general3A_81 = arith.constant dense<0.000000e+00> : vector<1000x128xf32>
    %dot_general3A_82 = tpu.matmul %get3A_49, %get3A_80, %dot_general3A_81 {dimension_numbers = #tpu.dot_dimension_numbers<[1], [0], [0], [1], [0, 0, 1, 1], [], []>, transpose_lhs_hint = false} : vector<1000x128xf32>, vector<128x128xf32>, vector<1000x128xf32> -> vector<1000x128xf32>
    %add3A_83 = arith.addf %add3A_77, %dot_general3A_82 : vector<1000x128xf32>
    %reduce_sum3A = arith.constant dense<0.000000e+00> : vector<1000xf32>
    %reduce_sum3A_84 = vector.multi_reduction <add>, %add3A_83, %reduce_sum3A [1] : vector<1000x128xf32> to vector<1000xf32>
    %broadcast_in_dim3A = vector.shape_cast %reduce_sum3A_84 : vector<1000xf32> to vector<1000x1xf32>
    %div3A = arith.constant 1.280000e+02 : f32
    %div3A_85 = vector.broadcast %div3A : f32 to vector<1000x1xf32>
    %div3A_86 = arith.divf %broadcast_in_dim3A, %div3A_85 : vector<1000x1xf32>
    %sub3A = vector.broadcast %div3A_86 : vector<1000x1xf32> to vector<1000x128xf32>
    %sub3A_87 = arith.subf %add3A_83, %sub3A : vector<1000x128xf32>
    %mul3A = arith.mulf %sub3A_87, %sub3A_87 : vector<1000x128xf32>
    %reduce_sum3A_88 = arith.constant dense<0.000000e+00> : vector<1000xf32>
    %reduce_sum3A_89 = vector.multi_reduction <add>, %mul3A, %reduce_sum3A_88 [1] : vector<1000x128xf32> to vector<1000xf32>
    %broadcast_in_dim3A_90 = vector.shape_cast %reduce_sum3A_89 : vector<1000xf32> to vector<1000x1xf32>
    %div3A_91 = arith.constant 1.280000e+02 : f32
    %div3A_92 = vector.broadcast %div3A_91 : f32 to vector<1000x1xf32>
    %div3A_93 = arith.divf %broadcast_in_dim3A_90, %div3A_92 : vector<1000x1xf32>
    %add3A_94 = arith.constant 9.99999997E-7 : f32
    %add3A_95 = vector.broadcast %add3A_94 : f32 to vector<1000x1xf32>
    %add3A_96 = arith.addf %div3A_93, %add3A_95 : vector<1000x1xf32>
    %rsqrt3A = math.rsqrt %add3A_96 : vector<1000x1xf32>
    %mul3A_97 = vector.broadcast %rsqrt3A : vector<1000x1xf32> to vector<1000x128xf32>
    %mul3A_98 = arith.mulf %sub3A_87, %mul3A_97 : vector<1000x128xf32>
    %get3A_99 = arith.constant 0 : index
    %get3A_100 = arith.constant 0 : index
    %get3A_101 = vector.load %arg17[%get3A_99, %get3A_100] : memref<1x128xf32, #tpu.memory_space<vmem>>, vector<1x128xf32>
    %mul3A_102 = vector.broadcast %get3A_101 : vector<1x128xf32> to vector<1000x128xf32>
    %mul3A_103 = arith.mulf %mul3A_98, %mul3A_102 : vector<1000x128xf32>
    %get3A_104 = arith.constant 0 : index
    %get3A_105 = arith.constant 0 : index
    %get3A_106 = vector.load %arg18[%get3A_104, %get3A_105] : memref<1x128xf32, #tpu.memory_space<vmem>>, vector<1x128xf32>
    %add3A_107 = vector.broadcast %get3A_106 : vector<1x128xf32> to vector<1000x128xf32>
    %add3A_108 = arith.addf %mul3A_103, %add3A_107 : vector<1000x128xf32>
    %swap3A = arith.constant 0 : index
    %swap3A_109 = arith.constant 0 : index
    %swap3A_110 = vector.load %arg19[%swap3A, %swap3A_109] : memref<1000x128xf32, #tpu.memory_space<vmem>>, vector<1000x128xf32>
    tpu.vector_store %arg19[%swap3A, %swap3A_109], %add3A_108 {strides = array<i32>} : memref<1000x128xf32, #tpu.memory_space<vmem>>, vector<1000x128xf32>,
    return
  }
  func.func @transform_0(%arg0: i32) -> (i32, i32) {
    %c0_i32 = arith.constant 0 : i32
    %c0_i32_0 = arith.constant 0 : i32
    return %arg0, %c0_i32 : i32, i32
  }
  func.func @transform_1(%arg0: i32) -> (i32, i32, i32) {
    %c0_i32 = arith.constant 0 : i32
    %c0_i32_0 = arith.constant 0 : i32
    %c0_i32_1 = arith.constant 0 : i32
    return %c0_i32, %arg0, %c0_i32_0 : i32, i32, i32
  }
  func.func @transform_2(%arg0: i32) -> (i32, i32, i32) {
    %c1_i32 = arith.constant 1 : i32
    %c0_i32 = arith.constant 0 : i32
    %c0_i32_0 = arith.constant 0 : i32
    return %c1_i32, %arg0, %c0_i32 : i32, i32, i32
  }
  func.func @transform_3(%arg0: i32) -> (i32, i32, i32) {
    %c0_i32 = arith.constant 0 : i32
    %c0_i32_0 = arith.constant 0 : i32
    %c0_i32_1 = arith.constant 0 : i32
    return %c0_i32, %arg0, %c0_i32_0 : i32, i32, i32
  }
  func.func @transform_4(%arg0: i32) -> (i32, i32, i32) {
    %c1_i32 = arith.constant 1 : i32
    %c0_i32 = arith.constant 0 : i32
    %c0_i32_0 = arith.constant 0 : i32
    return %c1_i32, %arg0, %c0_i32 : i32, i32, i32
  }
  func.func @transform_5(%arg0: i32) -> (i32, i32, i32) {
    %c0_i32 = arith.constant 0 : i32
    %c0_i32_0 = arith.constant 0 : i32
    %c0_i32_1 = arith.constant 0 : i32
    return %c0_i32, %arg0, %c0_i32_0 : i32, i32, i32
  }
  func.func @transform_6(%arg0: i32) -> (i32, i32, i32) {
    %c1_i32 = arith.constant 1 : i32
    %c0_i32 = arith.constant 0 : i32
    %c0_i32_0 = arith.constant 0 : i32
    return %c1_i32, %arg0, %c0_i32 : i32, i32, i32
  }
  func.func @transform_7(%arg0: i32) -> (i32, i32) {
    %c0_i32 = arith.constant 0 : i32
    %c0_i32_0 = arith.constant 0 : i32
    %c0_i32_1 = arith.constant 0 : i32
    return %c0_i32, %c0_i32_0 : i32, i32
  }
  func.func @transform_8(%arg0: i32) -> (i32, i32) {
    %c0_i32 = arith.constant 0 : i32
    %c0_i32_0 = arith.constant 0 : i32
    %c0_i32_1 = arith.constant 0 : i32
    return %c0_i32, %c0_i32_0 : i32, i32
  }
  func.func @transform_9(%arg0: i32) -> (i32, i32) {
    %c0_i32 = arith.constant 0 : i32
    %c0_i32_0 = arith.constant 0 : i32
    %c0_i32_1 = arith.constant 0 : i32
    return %c0_i32, %c0_i32_0 : i32, i32
  }
  func.func @transform_10(%arg0: i32) -> (i32, i32) {
    %c0_i32 = arith.constant 0 : i32
    %c0_i32_0 = arith.constant 0 : i32
    %c0_i32_1 = arith.constant 0 : i32
    return %c0_i32, %c0_i32_0 : i32, i32
  }
  func.func @transform_11(%arg0: i32) -> (i32, i32) {
    %c0_i32 = arith.constant 0 : i32
    %c0_i32_0 = arith.constant 0 : i32
    %c0_i32_1 = arith.constant 0 : i32
    return %c0_i32, %c0_i32_0 : i32, i32
  }
  func.func @transform_12(%arg0: i32) -> (i32, i32) {
    %c0_i32 = arith.constant 0 : i32
    %c0_i32_0 = arith.constant 0 : i32
    %c0_i32_1 = arith.constant 0 : i32
    return %c0_i32, %c0_i32_0 : i32, i32
  }
  func.func @transform_13(%arg0: i32) -> (i32, i32) {
    %c0_i32 = arith.constant 0 : i32
    %c0_i32_0 = arith.constant 0 : i32
    %c0_i32_1 = arith.constant 0 : i32
    return %c0_i32, %c0_i32_0 : i32, i32
  }
  func.func @transform_14(%arg0: i32) -> (i32, i32) {
    %c0_i32 = arith.constant 0 : i32
    %c0_i32_0 = arith.constant 0 : i32
    %c0_i32_1 = arith.constant 0 : i32
    return %c0_i32, %c0_i32_0 : i32, i32
  }
  func.func @transform_15(%arg0: i32) -> (i32, i32) {
    %c0_i32 = arith.constant 0 : i32
    %c0_i32_0 = arith.constant 0 : i32
    %c0_i32_1 = arith.constant 0 : i32
    return %c0_i32, %c0_i32_0 : i32, i32
  }
  func.func @transform_16(%arg0: i32) -> (i32, i32) {
    %c0_i32 = arith.constant 0 : i32
    %c0_i32_0 = arith.constant 0 : i32
    %c0_i32_1 = arith.constant 0 : i32
    return %c0_i32, %c0_i32_0 : i32, i32
  }
  func.func @transform_17(%arg0: i32) -> (i32, i32) {
    %c0_i32 = arith.constant 0 : i32
    %c0_i32_0 = arith.constant 0 : i32
    %c0_i32_1 = arith.constant 0 : i32
    return %c0_i32, %c0_i32_0 : i32, i32
  }
  func.func @transform_18(%arg0: i32) -> (i32, i32) {
    %c0_i32 = arith.constant 0 : i32
    %c0_i32_0 = arith.constant 0 : i32
    return %arg0, %c0_i32 : i32, i32
  }
}

</mosaic_0001>

<sc_bundles>
// kernel: kernel.4.cloned.1.call-start
scs
__scs_entry_jumppad:
0x0: {  	(pc) =	sbr.rel $0x88, $3  }
0x1: {  	(tag) =	ssettag $0x0;
	lr =	simm.s32 $0x1  }
0x2: {  	[smem:$0x3F95] =	sst lr;
	_ =	strace $0xD0000000  }
0x3: {  	_ = 	snop  }
0x4: {  	_ = 	snop  }
0x5: {  	_ = 	snop  }
0x6: {  	_ = 	snop  }
0x7: {  	_ = 	snop  }
__scs_overlays_trampoline_lowered:
0x8: {  	[smem:$0x3FA4] =	sst s0  }
0x9: {  	[smem:$0x3FA5] =	sst s1  }
0xa: {  	[smem:$0x3FA6] =	sst s2  }
0xb: {  	[smem:$0x3FA7] =	sst s3  }
0xc: {  	[smem:$0x3FA8] =	sst s4  }
0xd: {  	[smem:$0x3FA9] =	sst s5  }
0xe: {  	[smem:$0x3FAA] =	sst s6  }
0xf: {  	[smem:$0x3FAB] =	sst s7  }
0x10: {  	[smem:$0x3FAC] =	sst s8  }
0x11: {  	[smem:$0x3FAD] =	sst s9;
	s0 =	simm.s32 @!p0 $0x0  }
0x12: {  	s1 =	sld [smem:$0x3F93];
	s0 =	simm.s32 @p0 $0x1  }
0x13: {  	[smem:$0x3FAE] =	sst s0;
	s0 =	simm.s32 @!p1 $0x0  }
0x14: {  	s2 =	sld [smem:$0x3F92];
	s0 =	simm.s32 @p1 $0x1  }
0x15: {  	[smem:$0x3FAF] =	sst s0;
	s0 =	simm.s32 @!p2 $0x0  }
0x16: {  	s3 =	sld [smem:$0x3FDB];
	s0 =	simm.s32 @p2 $0x1  }
0x17: {  	s4 =	simm.s32 $0x1BF5;
	[smem:$0x3FB1] =	sst s0  }
0x18: {  	s0 =	sld [smem:$0x3F94];
	_ =	swait.ge [sflag:s4], $0x0  }
0x19: {  	s7 =	sld [smem:$0x3F95]  }
0x1a: {  	s8 =	sadd.s32 $0xFFFFE003, lr  }
0x1b: {  	s9 =	sadd.s32 $0xFFFFFEF7, lr;
	s5 =	simm.s32 $0xFFFFFFFF;
	p2 =	slt.u32 s8, $0xFFFFF086  }
0x1c: {  	p1 =	slt.u32 s9, $0xF7A;
	s5 =	simm.s32 @!p2 $0x0  }
0x1d: {  	s5 =	simm.s32 @p1 $0x1;
	p0 =	seq.s32 s7, s2  }
0x1e: {  	s7 =	smul.u32 @!p0 $0xF7A, s2;
	p2 =	seq.s32 @!p0 s5, $0x0  }
0x1f: {  	s9 =	smul.u32 $0xF7A, s1;
	s8 =	simm.s32 @!p0 $0x1BF5;
	p2 =	por !p2, p0  }
0x20: {  	[sflag:s8] =	ssyncset.s32 @!p0 $0xFFFFF086;
	s6 =	sadd.s32 @!p0 s3, s7;
	s7 =	simm.s32 @!p0 $0x108  }
0x21: {  	s3 =	sadd.s32 s3, s9;
	s6 =	sadd.s32 @!p0 $0x88, s6;
	s7 =	simm.s32 @p2 $0x1082  }
0x22: {  	[simem:s7], [sflag:s8] =	dma.local @!p0 [hbm:s6], $0xF7A  }
0x23: {  	s9 =	sor.u32 $0xD0000000, s2;
	s6 =	simm.s32 $0x108;
	_ =	swait.ge @!p0 [sflag:s8], $0x0  }
0x24: {  	s3 =	sadd.s32 $0x88, s3;
	s6 =	simm.s32 @!p1 $0x1082;
	[sflag:s4] =	ssyncset.s32 $0xFFFFF086  }
0x25: {  	[simem:s6], [sflag:s4] =	dma.local [hbm:s3], $0xF7A  }
0x26: {  	[smem:$0x3F95] =	sst s1;
	(tag) =	ssettag s2;
	_ =	strace s9  }
0x27: {  	s1 =	sld [smem:$0x3FA5]  }
0x28: {  	s2 =	sld [smem:$0x3FA6]  }
0x29: {  	s4 =	sld [smem:$0x3FA8]  }
0x2a: {  	p0 =	seq.s32 s5, $0x0;
	s5 =	sld [smem:$0x3FA9]  }
0x2b: {  	s6 =	sld [smem:$0x3FAA]  }
0x2c: {  	s7 =	sld [smem:$0x3FAB]  }
0x2d: {  	s3 =	simm.s32 $0x108;
	s8 =	sld [smem:$0x3FAC]  }
0x2e: {  	s3 =	simm.s32 @!p0 $0x1082;
	s9 =	sld [smem:$0x3FAD]  }
0x2f: {  	lr =	sadd.s32 s0, s3;
	s0 =	sld [smem:$0x3FA4]  }
0x30: {  	s3 =	sld [smem:$0x3FA7]  }
0x31: {  	[smem:$0x3FB0] =	sst s10  }
0x32: {  	s10 =	sld [smem:$0x3FAE];
	_ =	sdelay $0x3  }
0x33: {  	p0 =	seq.s32 s10, $0x1;
	s10 =	sld [smem:$0x3FB0];
	_ =	sdelay $0x3  }
0x34: {  	[smem:$0x3FB0] =	sst s10  }
0x35: {  	s10 =	sld [smem:$0x3FAF];
	_ =	sdelay $0x3  }
0x36: {  	p1 =	seq.s32 s10, $0x1;
	s10 =	sld [smem:$0x3FB0];
	_ =	sdelay $0x3  }
0x37: {  	[smem:$0x3FB0] =	sst s10  }
0x38: {  	s10 =	sld [smem:$0x3FB1]  }
0x39: {  	_ = 	snop;
	(pc) =	sbr.ind lr, $3  }
0x3a: {  	_ = 	snop  }
0x3b: {  	_ = 	snop  }
0x3c: {  	p2 =	seq.s32 s10, $0x1;
	s10 =	sld [smem:$0x3FB0]  }
0x3d: {  	_ =	shalt  }
0x3e: {  	_ =	shalt  }
0x3f: {  	_ =	shalt  }
0x40: {  	_ =	shalt  }
0x41: {  	_ =	shalt  }
0x42: {  	_ =	shalt  }
0x43: {  	_ =	shalt  }
0x44: {  	_ =	shalt  }
0x45: {  	_ =	shalt  }
0x46: {  	_ =	shalt  }
0x47: {  	_ =	shalt  }
0x48: {  	_ =	shalt  }
0x49: {  	_ =	shalt  }
0x4a: {  	_ =	shalt  }
0x4b: {  	_ =	shalt  }
0x4c: {  	_ =	shalt  }
0x4d: {  	_ =	shalt  }
0x4e: {  	_ =	shalt  }
0x4f: {  	_ =	shalt  }
0x50: {  	_ =	shalt  }
0x51: {  	_ =	shalt  }
0x52: {  	_ =	shalt  }
0x53: {  	_ =	shalt  }
0x54: {  	_ =	shalt  }
0x55: {  	_ =	shalt  }
0x56: {  	_ =	shalt  }
0x57: {  	_ =	shalt  }
0x58: {  	_ =	shalt  }
0x59: {  	_ =	shalt  }
0x5a: {  	_ =	shalt  }
0x5b: {  	_ =	shalt  }
0x5c: {  	_ =	shalt  }
0x5d: {  	_ =	shalt  }
0x5e: {  	_ =	shalt  }
0x5f: {  	_ =	shalt  }
0x60: {  	_ =	shalt  }
0x61: {  	_ =	shalt  }
0x62: {  	_ =	shalt  }
0x63: {  	_ =	shalt  }
0x64: {  	_ =	shalt  }
0x65: {  	_ =	shalt  }
0x66: {  	_ =	shalt  }
0x67: {  	_ =	shalt  }
0x68: {  	_ =	shalt  }
0x69: {  	_ =	shalt  }
0x6a: {  	_ =	shalt  }
0x6b: {  	_ =	shalt  }
0x6c: {  	_ =	shalt  }
0x6d: {  	_ =	shalt  }
0x6e: {  	_ =	shalt  }
0x6f: {  	_ =	shalt  }
0x70: {  	_ =	shalt  }
0x71: {  	_ =	shalt  }
0x72: {  	_ =	shalt  }
0x73: {  	_ =	shalt  }
0x74: {  	_ =	shalt  }
0x75: {  	_ =	shalt  }
0x76: {  	_ =	shalt  }
0x77: {  	_ =	shalt  }
0x78: {  	_ =	shalt  }
0x79: {  	_ =	shalt  }
0x7a: {  	_ =	shalt  }
0x7b: {  	_ =	shalt  }
0x7c: {  	_ =	shalt  }
0x7d: {  	_ =	shalt  }
0x7e: {  	_ =	shalt  }
0x7f: {  	_ =	shalt  }
0x80: {  	_ =	shalt  }
0x81: {  	_ =	shalt  }
0x82: {  	_ =	shalt  }
0x83: {  	_ =	shalt  }
0x84: {  	_ =	shalt  }
0x85: {  	_ =	shalt  }
0x86: {  	_ =	shalt  }
0x87: {  	_ =	shalt  }
.Lfunc_end0:
.L_simem_size_0:
called_computation_lowered:
.L_overlay_start_0:
0x88: {  	s2 =	sld [smem:$0x3FD9]  }
0x89: {  	s3 =	sld [smem:$0x3FFE];
	_ =	sdelay $0x1  }
0x8a: {  	s1 =	srdreg.scid  }
0x8b: {  	s0 =	sand.u32 $0x1, s1  }
0x8c: {  	s17 =	sshll.u32 s0, $0xA;
	s2 =	sadd.s32 s3, s2  }
0x8d: {  	s2 =	sadd.s32 s2, s17  }
0x8e: {  	[smem:$0x3FBC] =	sst s2  }
0x8f: {  	_ = 	snop  }
0x90: {  	s2 =	sld [smem:$0x3FC9]  }
0x91: {  	s18 =	sld [smem:$0x3FBE]  }
0x92: {  	s4 =	sld [smem:$0x3FD0];
	(tm) =	ssettm $0x1  }
0x93: {  	s5 =	sld [smem:$0x3FFB];
	_ =	sdelay $0x3  }
0x94: {  	_ =	strace s5  }
0x95: {  	s5 =	sld [smem:$0x3FFC];
	_ =	sdelay $0x3  }
0x96: {  	_ =	strace s5  }
0x97: {  	s5 =	sld [smem:$0x3FFD];
	_ =	sdelay $0x3  }
0x98: {  	_ =	strace s5  }
0x99: {  	_ =	strace $0x8FFFFFFF  }
0x9a: {  	s19 =	sld [smem:$0x3FDB];
	_ =	sdelay $0x1  }
0x9b: {  	s6 =	simm.s32 $_scs_section_size  }
0x9c: {  	s7 =	simm.s32 $_size__tile_overlayer_lowered;
	s8 =	simm.s32 $_tile_overlayer_lowered  }
0x9d: {  	s22 =	simm.s32 $0x1BFF;
	s21 =	sshll.u32 s8, $0x1;
	s5 =	sadd.s32 s6, s19  }
0x9e: {  	s9 =	simm.s32 $0x0;
	s20 =	sshll.u32 s7, $0x1;
	s7 =	sadd.s32 s21, s5  }
0x9f: {  	[timem:s9], [sflag:s22] =	dma.local [hbm:s7], s20  }
0xa0: {  	_ =	swait.ge [sflag:s22], s20  }
0xa1: {  	s6 =	ssub.s32 $0x0, s20;
	[sflag:s22] =	ssyncset.done $0x0  }
0xa2: {  	[sflag:s22] =	ssyncadd.s32 s6;
	_ =	sdelay $0x1  }
0xa3: {  	s23 =	simm.s32 $0x1B8B  }
0xa4: {  	_ =	swait.ge [sflag:s23], $0x1  }
0xa5: {  	[sflag:s23] =	ssyncset.done $0x0  }
0xa6: {  	s25 =	simm.s32 $0x1B8E;
	s24 =	sld [smem:$0x3FFE];
	[sflag:s23] =	ssyncadd.s32 $0xFFFFFFFF  }
0xa7: {  	s26 =	simm.s32 $execute0_lowered;
	[smem:$0x3FD2] =	sst s25  }
0xa8: {  	s7 =	sshll.u32 s26, $0x1;
	_ =	strace $0x80000046;
	[dreg:$0x1] =	wrdreg $0xFFFFFFFF  }
0xa9: {  	s28 =	simm.s32 $_size_execute0_lowered;
	s5 =	sadd.s32 s5, s7;
	[dreg:$0x0] =	wrdreg $0x0  }
0xaa: {  	s7 =	sshll.u32 s28, $0x1;
	[dreg:$0x2] =	wrdreg s5  }
0xab: {  	[dreg:$0x3] =	wrdreg s7  }
0xac: {  	[dreg:$0x4] =	wrdreg $0xC0  }
0xad: {  	_ =	task [dreg:s9], $0x5FFFF  }
0xae: {  	[dreg:$0x1] =	wrdreg $0xFFFFFFFF  }
0xaf: {  	[dreg:$0x0] =	wrdreg $0x60  }
0xb0: {  	[dreg:$0x2] =	wrdreg s2  }
0xb1: {  	[dreg:$0x3] =	wrdreg s24  }
0xb2: {  	[dreg:$0x4] =	wrdreg s18  }
0xb3: {  	[dreg:$0x5] =	wrdreg s4  }
0xb4: {  	[dreg:$0x6] =	wrdreg $0xA7300  }
0xb5: {  	[dreg:$0x7] =	wrdreg $0x147300  }
0xb6: {  	[dreg:$0x8] =	wrdreg $0x9  }
0xb7: {  	_ =	task.clear_ibuf [dreg:s9], $0x9FFFF;
	_ =	strace $0x90000046  }
0xb8: {  	s29 =	simm.s32 $0x9;
	_ =	strace $0x80000048  }
0xb9: {  	_ =	swait.ge [sflag:s29], $0x1  }
0xba: {  	[sflag:s29] =	ssyncadd.s32 $0xFFFFFFFF  }
0xbb: {  	_ =	strace $0x90000048  }
0xbc: {  	_ =	sfence  }
0xbd: {  	s30 =	sld [smem:$0x0];
	_ =	sdelay $0x2  }
0xbe: {  	s31 =	sshll.u32 s1, $0xD;
	s1 =	sshrl.u32 s1, $0x2  }
0xbf: {  	s3 =	sand.u32 $0x4000, s31;
	s1 =	sadd.s32 s1, s30  }
0xc0: {  	s0 =	sor.u32 s3, s0;
	s1 =	sshll.u32 s1, $0x11  }
0xc1: {  	s0 =	sor.u32 s1, s0  }
0xc2: {  	s0 =	sadd.s32 $0x8F2B, s0  }
0xc3: {  	[sflag:s0] =	ssyncadd.remote.s32 $0x1  }
0xc4: {  	_ =	sfence.sel $0xFFFF  }
0xc5: {  	[dreg:$0x0] =	wrdreg $0xFFFFFFFF;
	(pc) =	sbr.abs _section_cstart, $3  }
0xc6: {  	[dreg:$0x1] =	wrdreg $0xFFFFFFFF  }
0xc7: {  	_ =	task.clear_ibuf [dreg:s9], $0x2FFFF;
	_ =	strace $0x9FFFFFFF  }
0xc8: {  	(tm) =	ssettm $0x7FFFFFFF  }
0xc9: {  	_ =	shalt  }
tec
execute0_lowered:
.L_overlay_start_1:
0x0: {  	(tag) =	ssettag $0x1  }
0x1: {  	s0 =	rddreg [dreg:$0x0]  }
0x2: {  	s1 =	rddreg [dreg:$0x1]  }
0x3: {  	s7 =	rddreg [dreg:$0x2]  }
0x4: {  	s2 =	srdreg.scid;
	s8 =	rddreg [dreg:$0x3]  }
0x5: {  	s18 =	stileid.u32;
	s3 =	rddreg [dreg:$0x4];
	s5 =	simm.s32 $0x0  }
0x6: {  	s28 =	simm.s32 $0x9D30;
	s29 =	simm.s32 $0x8930;
	s30 =	simm.s32 $0xA230  }
0x7: {  	s31 =	simm.s32 $0x1;
	s2 =	sand.u32 $0x1, s2;
	s16 =	smul.u32 $0xA000, s18  }
0x8: {  	[smem:$0x7FF] =	sst s5;
	s15 =	sadd.s32 $0x17C00, s1;
	s9 =	smul.u32 $0x14000, s2  }
0x9: {  	s4 =	sshll.u32 s2, $0x4;
	s14 =	ssub.s32 $0x2, s2;
	s26 =	smul.u32 $0x27100, s2  }
0xa: {  	s2 =	smul.u32 $0x5000, s2;
	s10 =	sor.u32 s18, s4;
	s4 =	rddreg [dreg:$0x5]  }
0xb: {  	_ =	strace $0x80000047;
	[dreg:$0x7] =	wrdreg s15;
	s15 =	smul.u32 $0x2800, s18  }
0xc: {  	s12 =	sadd.s32 $0x4E4C00, s1;
	s24 =	sshll.u32 s18, $0x6;
	s6 =	smul.u32 $0x2710, s10  }
0xd: {  	s22 =	sshrl.u32 s14, $0x1;
	s23 =	sadd.s32 s16, s3;
	s17 =	smul.u32 $0x4E20, s10  }
0xe: {  	s14 =	ssub.s32 s14, s22;
	[dreg:$0x8] =	wrdreg s23;
	s10 =	smul.u32 $0x27100, s10  }
0xf: {  	s22 =	sshrl.u32 s16, $0x3;
	s2 =	sadd.s32 s8, s2;
	s19 =	sadd.s32 s15, s4  }
0x10: {  	s11 =	sshrl.u32 s6, $0x3;
	s6 =	sadd.s32 $0x16800, s1;
	[dreg:$0x9] =	wrdreg s19  }
0x11: {  	s10 =	sshrl.u32 s10, $0x3;
	s19 =	smul.u32 $0x2710, s18;
	s20 =	sadd.s32 s12, s17  }
0x12: {  	s13 =	sadd.s32 s11, s1;
	s1 =	sadd.s32 s9, s1;
	s9 =	sor.u32 $0x1C05, s24  }
0x13: {  	s7 =	sadd.s32 s7, s11;
	[dreg:$0xd] =	wrdreg s20;
	s25 =	sadd.s32 $0xCA00, s13  }
0x14: {  	s13 =	sadd.s32 $0x2C00, s13;
	[dreg:$0xc] =	wrdreg s7;
	s7 =	sadd.s32 s12, s10  }
0x15: {  	s21 =	sadd.s32 $0x18200, s1;
	s10 =	sadd.s32 s19, s26;
	s1 =	sadd.s32 $0x40200, s1  }
0x16: {  	s26 =	smax.u32 s14, $0x1;
	s19 =	simm.s32 $0x5;
	[dreg:$0xa] =	wrdreg s25  }
0x17: {  	s14 =	simm.s32 $0x2710;
	[dreg:$0xb] =	wrdreg s13;
	s7 =	sadd.s32 $0xA0, s7  }
0x18: {  	s24 =	sshll.u32 s10, $0x1;
	s25 =	sshrl.u32 s15, $0x3;
	[dreg:$0xf] =	wrdreg s26  }
0x19: {  	s23 =	sadd.s32 s22, s21;
	s26 =	simm.s32 $0x7530;
	[dreg:$0xe] =	wrdreg s7  }
0x1a: {  	s8 =	sadd.s32 s12, s24;
	s2 =	sadd.s32 s25, s2;
	s24 =	sadd.s32 s22, s1  }
0x1b: {  	s25 =	simm.s32 $0x50;
	s1 =	simm.s32 $0x2;
	s22 =	simm.s32 $0x4  }
0x1c: {  	s7 =	simm.s32 $0x74E0;
	s17 =	sadd.s32 $0x140, s8;
	s20 =	sadd.s32 $0x1E0, s8  }
0x1d: {  	[dreg:$0x10] =	wrdreg s2;
	s2 =	simm.s32 $0x3;
	s8 =	simm.s32 $0x0  }
.LBB2_1:
0x1e: {  	s10 =	rddreg [dreg:$0x8]  }
0x1f: {  	s10 =	sshrl.u32 s10, $0x3  }
0x20: {  	[spmem:s10], [sflag:s9] =	dma.local [hbm:s6], $0x1400  }
0x21: {  	_ =	swait.ge [sflag:s19], $0x1400  }
0x22: {  	[sflag:s19] =	ssyncset.done $0x0;
	s11 =	rddreg [dreg:$0x9]  }
0x23: {  	s12 =	rddreg [dreg:$0x7];
	[sflag:s19] =	ssyncadd.s32 $0xFFFFEC00;
	s11 =	sshrl.u32 s11, $0x3  }
0x24: {  	[spmem:s11], [sflag:s9] =	dma.local [hbm:s12], $0x500  }
0x25: {  	_ =	swait.ge [sflag:s19], $0x500  }
0x26: {  	[sflag:s19] =	ssyncset.done $0x0  }
0x27: {  	s16 =	rddreg [dreg:$0xa];
	[sflag:s19] =	ssyncadd.s32 $0xFFFFFB00  }
0x28: {  	[tilespmem:s5], [sflag:$0x5] =	stream.linear.gather [hbm4b:s16+s5], $0x2710, $0x38;
	[tilespmem:$0x16F30] =	vst v63  }
0x29: {  	_ =	swait.ge [sflag:s19], $0x2710  }
0x2a: {  	[sflag:s19] =	ssyncset.done $0x0  }
0x2b: {  	s18 =	rddreg [dreg:$0xb];
	[sflag:s19] =	ssyncadd.s32 $0xFFFFD8F0  }
0x2c: {  	[tilespmem:s14], [sflag:$0x5] =	stream.linear.gather [hbm4b:s18+s5], $0x2710, $0x38;
	[tilespmem:$0x16F30] =	vst v63  }
0x2d: {  	_ =	swait.ge [sflag:s19], $0x2710  }
0x2e: {  	[sflag:s19] =	ssyncset.done $0x0  }
0x2f: {  	s13 =	simm.s32 $0x4E20;
	s21 =	rddreg [dreg:$0xc];
	[sflag:s19] =	ssyncadd.s32 $0xFFFFD8F0  }
0x30: {  	[tilespmem:s13], [sflag:$0x5] =	stream.linear.gather [hbm4b:s21+s5], $0x2710, $0x38;
	[tilespmem:$0x16F30] =	vst v63  }
0x31: {  	_ =	swait.ge [sflag:s19], $0x2710  }
0x32: {  	[sflag:s19] =	ssyncset.done $0x0  }
0x33: {  	[sflag:s19] =	ssyncadd.s32 $0xFFFFD8F0  }
0x34: {  	[bflag:$0x0] =	sbarrier.arrive $0xFFFF  }
0x35: {  	[tilespmem:s26], [sflag:$0x1] =	stream.indirect.gather [hbm4b:s0+s25], $0x40, s5, s25, $0xb8;
	[tilespmem:$0x16F30] =	vst v63  }
0x36: {  	s13 =	rddreg [dreg:$0xd]  }
0x37: {  	[tilespmem:s28], [sflag:$0x3] =	stream.linear.gather [hbm4b:s13+s5], $0x500, $0x38;
	[tilespmem:$0x16F30] =	vst v63  }
0x38: {  	_ = 	snop  }
0x39: {  	[tilespmem:s29], [sflag:$0x2] =	stream.indirect.gather [hbm4b:s0+s25], $0x40, s25, s25, $0xb8;
	[tilespmem:$0x16F30] =	vst v63  }
0x3a: {  	s14 =	rddreg [dreg:$0xe]  }
0x3b: {  	[tilespmem:s30], [sflag:$0x4] =	stream.linear.gather [hbm4b:s14+s5], $0x500, $0x38;
	[tilespmem:$0x16F30] =	vst v63  }
0x3c: {  	_ =	swait.ge [sflag:s31], $0x1400  }
0x3d: {  	[sflag:s31] =	ssyncset.done $0x0  }
0x3e: {  	s15 =	simm.s32 $0x4E20;
	[sflag:s31] =	ssyncadd.s32 $0xFFFFEC00  }
0x3f: {  	[spmem:s3] =	stream.indirect.scatter.add.f32 [tilespmem:s26], [sflag:$0x5], $0x40, s15, s25, $0xb8;
	[tilespmem:$0x16F30] =	vst v63  }
0x40: {  	_ =	swait.ge [sflag:s19], $0x1400  }
0x41: {  	[sflag:s19] =	ssyncset.done $0x0  }
0x42: {  	[sflag:s19] =	ssyncadd.s32 $0xFFFFEC00  }
0x43: {  	_ =	swait.ge [sflag:s2], $0x500  }
0x44: {  	[sflag:s2] =	ssyncset.done $0x0  }
0x45: {  	[sflag:s2] =	ssyncadd.s32 $0xFFFFFB00  }
0x46: {  	[spmem:s4] =	stream.indirect.scatter.add.f32 [tilespmem:s28], [sflag:$0x5], $0x10, s15, s25, $0xb8;
	[tilespmem:$0x16F30] =	vst v63  }
0x47: {  	_ =	swait.ge [sflag:s19], $0x500  }
0x48: {  	[sflag:s19] =	ssyncset.done $0x0  }
0x49: {  	s16 =	simm.s32 $0xA0;
	[sflag:s19] =	ssyncadd.s32 $0xFFFFFB00  }
0x4a: {  	[tilespmem:s26], [sflag:$0x1] =	stream.indirect.gather [hbm4b:s0+s25], $0x40, s16, s25, $0xb8;
	[tilespmem:$0x16F30] =	vst v63  }
0x4b: {  	_ = 	snop  }
0x4c: {  	[tilespmem:s28], [sflag:$0x3] =	stream.linear.gather [hbm4b:s17+s5], $0x500, $0x38;
	[tilespmem:$0x16F30] =	vst v63  }
0x4d: {  	_ =	swait.ge [sflag:s1], $0x1400  }
0x4e: {  	[sflag:s1] =	ssyncset.done $0x0  }
0x4f: {  	s18 =	simm.s32 $0x4E70;
	[sflag:s1] =	ssyncadd.s32 $0xFFFFEC00  }
0x50: {  	[spmem:s3] =	stream.indirect.scatter.add.f32 [tilespmem:s29], [sflag:$0x5], $0x40, s18, s25, $0xb8;
	[tilespmem:$0x16F30] =	vst v63  }
0x51: {  	_ =	swait.ge [sflag:s19], $0x1400  }
0x52: {  	[sflag:s19] =	ssyncset.done $0x0  }
0x53: {  	[sflag:s19] =	ssyncadd.s32 $0xFFFFEC00  }
0x54: {  	_ =	swait.ge [sflag:s22], $0x500  }
0x55: {  	[sflag:s22] =	ssyncset.done $0x0  }
0x56: {  	[sflag:s22] =	ssyncadd.s32 $0xFFFFFB00  }
0x57: {  	[spmem:s4] =	stream.indirect.scatter.add.f32 [tilespmem:s30], [sflag:$0x5], $0x10, s18, s25, $0xb8;
	[tilespmem:$0x16F30] =	vst v63  }
0x58: {  	s12 =	sadd.s32 $0x140, s17;
	s21 =	simm.s32 $0xF0;
	_ =	swait.ge [sflag:s19], $0x500  }
0x59: {  	s13 =	simm.s32 $0x280;
	s14 =	sadd.s32 $0x140, s20;
	[sflag:s19] =	ssyncset.done $0x0  }
0x5a: {  	s15 =	sadd.s32 $0x140, s17;
	s18 =	smov.u32 s20;
	[sflag:s19] =	ssyncadd.s32 $0xFFFFFB00  }
0x5b: {  	[tilespmem:s29], [sflag:$0x2] =	stream.indirect.gather [hbm4b:s0+s25], $0x40, s21, s25, $0xb8;
	[tilespmem:$0x16F30] =	vst v63  }
.LBB2_2:
0x5c: {  	[tilespmem:s30], [sflag:$0x4] =	stream.linear.gather [hbm4b:s18+s5], $0x500, $0x38;
	[tilespmem:$0x16F30] =	vst v63  }
0x5d: {  	s16 =	smov.u32 s13;
	s13 =	sadd.s32 $0x280, s13;
	_ =	swait.ge [sflag:s31], $0x1400  }
0x5e: {  	s16 =	sshra.s32 s16, $0x2;
	p0 =	sne.s32 s13, $0x9880;
	[sflag:s31] =	ssyncset.done $0x0  }
0x5f: {  	s18 =	smov.u32 s14;
	s21 =	sadd.s32 $0x4E20, s16;
	[sflag:s31] =	ssyncadd.s32 $0xFFFFEC00  }
0x60: {  	[spmem:s3] =	stream.indirect.scatter.add.f32 [tilespmem:s26], [sflag:$0x5], $0x40, s21, s25, $0xb8;
	[tilespmem:$0x16F30] =	vst v63  }
0x61: {  	_ =	swait.ge [sflag:s19], $0x1400  }
0x62: {  	[sflag:s19] =	ssyncset.done $0x0  }
0x63: {  	[sflag:s19] =	ssyncadd.s32 $0xFFFFEC00  }
0x64: {  	_ =	swait.ge [sflag:s2], $0x500  }
0x65: {  	[sflag:s2] =	ssyncset.done $0x0  }
0x66: {  	[sflag:s2] =	ssyncadd.s32 $0xFFFFFB00  }
0x67: {  	[spmem:s4] =	stream.indirect.scatter.add.f32 [tilespmem:s28], [sflag:$0x5], $0x10, s21, s25, $0xb8;
	[tilespmem:$0x16F30] =	vst v63  }
0x68: {  	_ =	swait.ge [sflag:s19], $0x500  }
0x69: {  	[sflag:s19] =	ssyncset.done $0x0  }
0x6a: {  	s21 =	sadd.s32 $0xA0, s16;
	[sflag:s19] =	ssyncadd.s32 $0xFFFFFB00  }
0x6b: {  	[tilespmem:s26], [sflag:$0x1] =	stream.indirect.gather [hbm4b:s0+s25], $0x40, s21, s25, $0xb8;
	[tilespmem:$0x16F30] =	vst v63  }
0x6c: {  	_ = 	snop  }
0x6d: {  	[tilespmem:s28], [sflag:$0x3] =	stream.linear.gather [hbm4b:s15+s5], $0x500, $0x38;
	[tilespmem:$0x16F30] =	vst v63  }
0x6e: {  	_ =	swait.ge [sflag:s1], $0x1400  }
0x6f: {  	[sflag:s1] =	ssyncset.done $0x0  }
0x70: {  	s21 =	sadd.s32 $0x4E70, s16;
	[sflag:s1] =	ssyncadd.s32 $0xFFFFEC00  }
0x71: {  	[spmem:s3] =	stream.indirect.scatter.add.f32 [tilespmem:s29], [sflag:$0x5], $0x40, s21, s25, $0xb8;
	[tilespmem:$0x16F30] =	vst v63  }
0x72: {  	_ =	swait.ge [sflag:s19], $0x1400  }
0x73: {  	[sflag:s19] =	ssyncset.done $0x0  }
0x74: {  	[sflag:s19] =	ssyncadd.s32 $0xFFFFEC00  }
0x75: {  	_ =	swait.ge [sflag:s22], $0x500  }
0x76: {  	[sflag:s22] =	ssyncset.done $0x0  }
0x77: {  	[sflag:s22] =	ssyncadd.s32 $0xFFFFFB00  }
0x78: {  	[spmem:s4] =	stream.indirect.scatter.add.f32 [tilespmem:s30], [sflag:$0x5], $0x10, s21, s25, $0xb8;
	[tilespmem:$0x16F30] =	vst v63  }
.Ltmp0:
0x79: {  	_ =	swait.ge [sflag:s19], $0x500;
	(pc) =	sbr.rel @p0 .LBB2_2-.Ltmp0, $4  }
0x7a: {  	[sflag:s19] =	ssyncset.done $0x0  }
0x7b: {  	s16 =	sadd.s32 $0xF0, s16;
	[sflag:s19] =	ssyncadd.s32 $0xFFFFFB00  }
0x7c: {  	[tilespmem:s29], [sflag:$0x2] =	stream.indirect.gather [hbm4b:s0+s25], $0x40, s16, s25, $0xb8;
	[tilespmem:$0x16F30] =	vst v63  }
0x7d: {  	s12 =	sadd.s32 $0x140, s12;
	s14 =	sadd.s32 $0x140, s14;
	s15 =	sadd.s32 $0x140, s15  }
0x7e: {  	[tilespmem:s30], [sflag:$0x4] =	stream.linear.gather [hbm4b:s18+s5], $0x500, $0x38;
	[tilespmem:$0x16F30] =	vst v63  }
0x7f: {  	_ =	swait.ge [sflag:s31], $0x1400  }
0x80: {  	s13 =	sshra.s32 s13, $0x2;
	[sflag:s31] =	ssyncset.done $0x0  }
0x81: {  	s14 =	sadd.s32 $0x4E20, s13;
	[sflag:s31] =	ssyncadd.s32 $0xFFFFEC00  }
0x82: {  	[spmem:s3] =	stream.indirect.scatter.add.f32 [tilespmem:s26], [sflag:$0x5], $0x40, s14, s25, $0xb8;
	[tilespmem:$0x16F30] =	vst v63  }
0x83: {  	_ =	swait.ge [sflag:s19], $0x1400  }
0x84: {  	[sflag:s19] =	ssyncset.done $0x0  }
0x85: {  	[sflag:s19] =	ssyncadd.s32 $0xFFFFEC00  }
0x86: {  	_ =	swait.ge [sflag:s2], $0x500  }
0x87: {  	[sflag:s2] =	ssyncset.done $0x0  }
0x88: {  	[sflag:s2] =	ssyncadd.s32 $0xFFFFFB00  }
0x89: {  	[spmem:s4] =	stream.indirect.scatter.add.f32 [tilespmem:s28], [sflag:$0x5], $0x10, s14, s25, $0xb8;
	[tilespmem:$0x16F30] =	vst v63  }
0x8a: {  	_ =	swait.ge [sflag:s19], $0x500  }
0x8b: {  	[sflag:s19] =	ssyncset.done $0x0  }
0x8c: {  	s18 =	sadd.s32 $0xA0, s13;
	[sflag:s19] =	ssyncadd.s32 $0xFFFFFB00  }
0x8d: {  	[tilespmem:s26], [sflag:$0x1] =	stream.indirect.gather [hbm4b:s0+s25], $0x40, s18, s25, $0xb8;
	[tilespmem:$0x16F30] =	vst v63  }
0x8e: {  	s21 =	simm.s32 $0x0  }
0x8f: {  	[tilespmem:s28], [sflag:$0x3] =	stream.linear.gather [hbm4b:s12+s21], $0x500, $0x38;
	[tilespmem:$0x16F30] =	vst v63  }
0x90: {  	_ =	swait.ge [sflag:s1], $0x1400  }
0x91: {  	[sflag:s1] =	ssyncset.done $0x0  }
0x92: {  	s13 =	sadd.s32 $0x4E70, s13;
	[sflag:s1] =	ssyncadd.s32 $0xFFFFEC00  }
0x93: {  	[spmem:s3] =	stream.indirect.scatter.add.f32 [tilespmem:s29], [sflag:$0x5], $0x40, s13, s25, $0xb8;
	[tilespmem:$0x16F30] =	vst v63  }
0x94: {  	_ =	swait.ge [sflag:s19], $0x1400  }
0x95: {  	[sflag:s19] =	ssyncset.done $0x0  }
0x96: {  	[sflag:s19] =	ssyncadd.s32 $0xFFFFEC00  }
0x97: {  	_ =	swait.ge [sflag:s22], $0x500  }
0x98: {  	[sflag:s22] =	ssyncset.done $0x0  }
0x99: {  	[sflag:s22] =	ssyncadd.s32 $0xFFFFFB00  }
0x9a: {  	[spmem:s4] =	stream.indirect.scatter.add.f32 [tilespmem:s30], [sflag:$0x5], $0x10, s13, s25, $0xb8;
	[tilespmem:$0x16F30] =	vst v63  }
0x9b: {  	_ =	swait.ge [sflag:s19], $0x500  }
0x9c: {  	[sflag:s19] =	ssyncset.done $0x0  }
0x9d: {  	[sflag:s19] =	ssyncadd.s32 $0xFFFFFB00  }
0x9e: {  	_ =	swait.ge [sflag:s31], $0x1400  }
0x9f: {  	[sflag:s31] =	ssyncset.done $0x0  }
0xa0: {  	[sflag:s31] =	ssyncadd.s32 $0xFFFFEC00  }
0xa1: {  	[spmem:s3] =	stream.indirect.scatter.add.f32 [tilespmem:s26], [sflag:$0x5], $0x40, s7, s25, $0xb8;
	[tilespmem:$0x16F30] =	vst v63  }
0xa2: {  	_ =	swait.ge [sflag:s19], $0x1400  }
0xa3: {  	[sflag:s19] =	ssyncset.done $0x0  }
0xa4: {  	[sflag:s19] =	ssyncadd.s32 $0xFFFFEC00  }
0xa5: {  	_ =	swait.ge [sflag:s2], $0x500  }
0xa6: {  	[sflag:s2] =	ssyncset.done $0x0  }
0xa7: {  	[sflag:s2] =	ssyncadd.s32 $0xFFFFFB00  }
0xa8: {  	[spmem:s4] =	stream.indirect.scatter.add.f32 [tilespmem:s28], [sflag:$0x5], $0x10, s7, s25, $0xb8;
	[tilespmem:$0x16F30] =	vst v63  }
0xa9: {  	_ =	swait.ge [sflag:s19], $0x500  }
0xaa: {  	[sflag:s19] =	ssyncset.done $0x0  }
0xab: {  	[sflag:s19] =	ssyncadd.s32 $0xFFFFFB00  }
0xac: {  	[bflag:$0x0] =	sbarrier.arrive $0xFFFF  }
0xad: {  	[hbm:s23], [sflag:s9] =	dma.local [spmem:s10], $0x1400  }
0xae: {  	_ =	swait.ge [sflag:s19], $0x1400  }
0xaf: {  	[sflag:s19] =	ssyncset.done $0x0  }
0xb0: {  	s14 =	rddreg [dreg:$0x10];
	[sflag:s19] =	ssyncadd.s32 $0xFFFFEC00  }
0xb1: {  	[hbm:s14], [sflag:s9] =	dma.local [spmem:s11], $0x500  }
0xb2: {  	_ =	swait.ge [sflag:s19], $0x500  }
0xb3: {  	[sflag:s19] =	ssyncset.done $0x0  }
0xb4: {  	[sflag:s19] =	ssyncadd.s32 $0xFFFFFB00  }
0xb5: {  	[spmem:s10], [sflag:s9] =	dma.local [hbm:s6], $0x1400  }
0xb6: {  	_ =	swait.ge [sflag:s19], $0x1400  }
0xb7: {  	[sflag:s19] =	ssyncset.done $0x0  }
0xb8: {  	[sflag:s19] =	ssyncadd.s32 $0xFFFFEC00  }
0xb9: {  	s14 =	simm.s32 $0x2710;
	[bflag:$0x0] =	sbarrier.arrive $0xFFFF  }
0xba: {  	[tilespmem:s26], [sflag:$0x1] =	stream.indirect.gather [hbm4b:s0+s25], $0x40, s14, s25, $0xb8;
	[tilespmem:$0x16F30] =	vst v63  }
0xbb: {  	s15 =	simm.s32 $0x2760  }
0xbc: {  	[tilespmem:s29], [sflag:$0x2] =	stream.indirect.gather [hbm4b:s0+s25], $0x40, s15, s25, $0xb8;
	[tilespmem:$0x16F30] =	vst v63  }
0xbd: {  	_ =	swait.ge [sflag:s31], $0x1400  }
0xbe: {  	[sflag:s31] =	ssyncset.done $0x0  }
0xbf: {  	s16 =	simm.s32 $0x4E20;
	[sflag:s31] =	ssyncadd.s32 $0xFFFFEC00  }
0xc0: {  	[spmem:s3] =	stream.indirect.scatter.add.f32 [tilespmem:s26], [sflag:$0x5], $0x40, s16, s25, $0xb8;
	[tilespmem:$0x16F30] =	vst v63  }
0xc1: {  	_ =	swait.ge [sflag:s19], $0x1400  }
0xc2: {  	[sflag:s19] =	ssyncset.done $0x0  }
0xc3: {  	s18 =	simm.s32 $0x27B0;
	[sflag:s19] =	ssyncadd.s32 $0xFFFFEC00  }
0xc4: {  	[tilespmem:s26], [sflag:$0x1] =	stream.indirect.gather [hbm4b:s0+s25], $0x40, s18, s25, $0xb8;
	[tilespmem:$0x16F30] =	vst v63  }
0xc5: {  	_ =	swait.ge [sflag:s1], $0x1400  }
0xc6: {  	[sflag:s1] =	ssyncset.done $0x0  }
0xc7: {  	s21 =	simm.s32 $0x4E70;
	[sflag:s1] =	ssyncadd.s32 $0xFFFFEC00  }
0xc8: {  	[spmem:s3] =	stream.indirect.scatter.add.f32 [tilespmem:s29], [sflag:$0x5], $0x40, s21, s25, $0xb8;
	[tilespmem:$0x16F30] =	vst v63  }
0xc9: {  	_ =	swait.ge [sflag:s19], $0x1400  }
0xca: {  	[sflag:s19] =	ssyncset.done $0x0  }
0xcb: {  	s12 =	simm.s32 $0x2800;
	s11 =	simm.s32 $0x280;
	[sflag:s19] =	ssyncadd.s32 $0xFFFFEC00  }
.LBB2_4:
0xcc: {  	[tilespmem:s29], [sflag:$0x2] =	stream.indirect.gather [hbm4b:s0+s25], $0x40, s12, s25, $0xb8;
	[tilespmem:$0x16F30] =	vst v63  }
0xcd: {  	s12 =	smov.u32 s11;
	s11 =	sadd.s32 $0x280, s11;
	_ =	swait.ge [sflag:s31], $0x1400  }
0xce: {  	s12 =	sshra.s32 s12, $0x2;
	p0 =	sne.s32 s11, $0x9880;
	[sflag:s31] =	ssyncset.done $0x0  }
0xcf: {  	s13 =	sadd.s32 $0x4E20, s12;
	[sflag:s31] =	ssyncadd.s32 $0xFFFFEC00  }
0xd0: {  	[spmem:s3] =	stream.indirect.scatter.add.f32 [tilespmem:s26], [sflag:$0x5], $0x40, s13, s25, $0xb8;
	[tilespmem:$0x16F30] =	vst v63  }
0xd1: {  	_ =	swait.ge [sflag:s19], $0x1400  }
0xd2: {  	[sflag:s19] =	ssyncset.done $0x0  }
0xd3: {  	s13 =	sadd.s32 $0x27B0, s12;
	[sflag:s19] =	ssyncadd.s32 $0xFFFFEC00  }
0xd4: {  	[tilespmem:s26], [sflag:$0x1] =	stream.indirect.gather [hbm4b:s0+s25], $0x40, s13, s25, $0xb8;
	[tilespmem:$0x16F30] =	vst v63  }
0xd5: {  	_ =	swait.ge [sflag:s1], $0x1400  }
0xd6: {  	[sflag:s1] =	ssyncset.done $0x0  }
.Ltmp1:
0xd7: {  	s13 =	sadd.s32 $0x4E70, s12;
	[sflag:s1] =	ssyncadd.s32 $0xFFFFEC00;
	(pc) =	sbr.rel @p0 .LBB2_4-.Ltmp1, $4  }
0xd8: {  	[spmem:s3] =	stream.indirect.scatter.add.f32 [tilespmem:s29], [sflag:$0x5], $0x40, s13, s25, $0xb8;
	[tilespmem:$0x16F30] =	vst v63  }
0xd9: {  	_ =	swait.ge [sflag:s19], $0x1400  }
0xda: {  	[sflag:s19] =	ssyncset.done $0x0  }
0xdb: {  	s12 =	sadd.s32 $0x2800, s12;
	[sflag:s19] =	ssyncadd.s32 $0xFFFFEC00  }
0xdc: {  	[tilespmem:s29], [sflag:$0x2] =	stream.indirect.gather [hbm4b:s0+s25], $0x40, s12, s25, $0xb8;
	[tilespmem:$0x16F30] =	vst v63  }
0xdd: {  	_ =	swait.ge [sflag:s31], $0x1400  }
0xde: {  	s11 =	sshra.s32 s11, $0x2;
	[sflag:s31] =	ssyncset.done $0x0  }
0xdf: {  	s16 =	sadd.s32 $0x4E20, s11;
	[sflag:s31] =	ssyncadd.s32 $0xFFFFEC00  }
0xe0: {  	[spmem:s3] =	stream.indirect.scatter.add.f32 [tilespmem:s26], [sflag:$0x5], $0x40, s16, s25, $0xb8;
	[tilespmem:$0x16F30] =	vst v63  }
0xe1: {  	_ =	swait.ge [sflag:s19], $0x1400  }
0xe2: {  	[sflag:s19] =	ssyncset.done $0x0  }
0xe3: {  	s18 =	sadd.s32 $0x27B0, s11;
	[sflag:s19] =	ssyncadd.s32 $0xFFFFEC00  }
0xe4: {  	[tilespmem:s26], [sflag:$0x1] =	stream.indirect.gather [hbm4b:s0+s25], $0x40, s18, s25, $0xb8;
	[tilespmem:$0x16F30] =	vst v63  }
0xe5: {  	_ =	swait.ge [sflag:s1], $0x1400  }
0xe6: {  	[sflag:s1] =	ssyncset.done $0x0  }
0xe7: {  	s11 =	sadd.s32 $0x4E70, s11;
	[sflag:s1] =	ssyncadd.s32 $0xFFFFEC00  }
0xe8: {  	[spmem:s3] =	stream.indirect.scatter.add.f32 [tilespmem:s29], [sflag:$0x5], $0x40, s11, s25, $0xb8;
	[tilespmem:$0x16F30] =	vst v63  }
0xe9: {  	_ =	swait.ge [sflag:s19], $0x1400  }
0xea: {  	[sflag:s19] =	ssyncset.done $0x0  }
0xeb: {  	[sflag:s19] =	ssyncadd.s32 $0xFFFFEC00  }
0xec: {  	_ =	swait.ge [sflag:s31], $0x1400  }
0xed: {  	[sflag:s31] =	ssyncset.done $0x0  }
0xee: {  	[sflag:s31] =	ssyncadd.s32 $0xFFFFEC00  }
0xef: {  	[spmem:s3] =	stream.indirect.scatter.add.f32 [tilespmem:s26], [sflag:$0x5], $0x40, s7, s25, $0xb8;
	[tilespmem:$0x16F30] =	vst v63  }
0xf0: {  	_ =	swait.ge [sflag:s19], $0x1400  }
0xf1: {  	[sflag:s19] =	ssyncset.done $0x0  }
0xf2: {  	[sflag:s19] =	ssyncadd.s32 $0xFFFFEC00  }
0xf3: {  	[bflag:$0x0] =	sbarrier.arrive $0xFFFF  }
0xf4: {  	[hbm:s24], [sflag:s9] =	dma.local [spmem:s10], $0x1400  }
0xf5: {  	_ =	swait.ge [sflag:s19], $0x1400  }
0xf6: {  	s8 =	sadd.s32 $0x1, s8;
	s21 =	rddreg [dreg:$0xf]  }
0xf7: {  	p0 =	sne.s32 s8, s21  }
.Ltmp2:
0xf8: {  	_ = 	snop;
	(pc) =	sbr.rel @p0 .LBB2_1-.Ltmp2, $3  }
0xf9: {  	_ =	sdelay $0x1  }
0xfa: {  	[sflag:s19] =	ssyncset.done $0x0  }
0xfb: {  	[sflag:s19] =	ssyncadd.s32 $0xFFFFEC00  }
0xfc: {  	_ =	sfence.sel $0x180000  }
0xfd: {  	[bflag:$0x0] =	sbarrier.arrive $0xFFFF  }
0xfe: {  	_ =	strace $0x90000047  }
0xff: {  	s0 =	stileid.u32;
	[bflag:$0x2] =	sbarrier.arrive $0xFFFF  }
0x100: {  	p0 =	sne.s32 s0, $0x0;
	s0 =	rddreg [dreg:$0x6]  }
0x101: {  	s0 =	sadd.s32 @!p0 $0x100000, s0  }
0x102: {  	[sflag:s0] =	ssyncadd.tile.s32 @!p0 $0x1;
	_ =	shalt  }
.Lfunc_end2:
_tile_overlayer_lowered:
.L_overlay_start_2:
0x103: {  	(tag) =	ssettag $0x2  }
0x104: {  	s0 =	rddreg [dreg:$0x0];
	s2 =	stileid.u32  }
0x105: {  	s1 =	rddreg [dreg:$0x1];
	p0 =	sne.s32 s2, $0x0  }
0x106: {  	s3 =	rddreg [dreg:$0x2];
	[bflag:$0x3] =	sbarrier.arrive $0xFFFF;
	s2 =	simm.s32 @!p0 $0x1C05  }
0x107: {  	[timem:s3], [sflag:s2] =	dma.local @!p0 [hbm:s0], s1  }
0x108: {  	s0 =	simm.s32 @!p0 $0x5  }
0x109: {  	_ =	swait.ge @!p0 [sflag:s0], s1  }
0x10a: {  	s1 =	ssub.s32 @!p0 $0x0, s1;
	[sflag:s0] =	ssyncset.done @!p0 $0x0  }
0x10b: {  	[sflag:s0] =	ssyncadd.s32 @!p0 s1  }
0x10c: {  	[bflag:$0x3] =	sbarrier.arrive $0xFFFF  }
0x10d: {  	_ =	shalt  }

</sc_bundles>
